<compile_context>
chip_gen: v7x
topology: tpu7x:2x2x1
jax: 0.10.2.dev20260603
libtpu: 0.0.44.dev20260713+nightly
codegen_flags: <defaults>
</compile_context>

<pallas_src>
import jax
import jax.numpy as jnp
from jax import lax
from jax.experimental import pallas as pl
from jax.experimental.pallas import tpu as pltpu
from jax.experimental.pallas import tpu_sc as plsc

S, D, H = 2048, 768, 12
DH = D // H
E, K, DFF = 8, 2, 1536
C = int(1.25 * K * S / E)
NENT = K * S
TRASH = 32
EIN_ROWS = E * C + TRASH
F32 = jnp.float32


def _qkv_body(x_ref, wq_ref, wk_ref, wv_ref, bq_ref, bk_ref, bv_ref, o_ref):
    x = x_ref[...]
    o_ref[:, 0:D] = (
        jnp.dot(x, wq_ref[...], preferred_element_type=F32) + bq_ref[...]
    )
    o_ref[:, D:2 * D] = (
        jnp.dot(x, wk_ref[...], preferred_element_type=F32) + bk_ref[...]
    )
    o_ref[:, 2 * D:3 * D] = (
        jnp.dot(x, wv_ref[...], preferred_element_type=F32) + bv_ref[...]
    )


def _qkv_call(x2, wq, wk, wv, bq, bk, bv):
    return pl.pallas_call(
        _qkv_body,
        grid=(S // _BR,),
        in_specs=[
            pl.BlockSpec((_BR, D), lambda i: (i, 0)),
            pl.BlockSpec((D, D), lambda i: (0, 0)),
            pl.BlockSpec((D, D), lambda i: (0, 0)),
            pl.BlockSpec((D, D), lambda i: (0, 0)),
            pl.BlockSpec((1, D), lambda i: (0, 0)),
            pl.BlockSpec((1, D), lambda i: (0, 0)),
            pl.BlockSpec((1, D), lambda i: (0, 0)),
        ],
        out_specs=pl.BlockSpec((_BR, 3 * D), lambda i: (i, 0)),
        out_shape=jax.ShapeDtypeStruct((S, 3 * D), F32),
    )(x2, wq, wk, wv, bq.reshape(1, D), bk.reshape(1, D), bv.reshape(1, D))


_BQ = 2048


def _attn_body(q_ref, k_ref, v_ref, o_ref):
    qp = q_ref[...] * (1.0 / (DH ** 0.5))
    kp = k_ref[...]
    vp = v_ref[...]
    lane = lax.broadcasted_iota(jnp.int32, (S, DH), 1)
    ones_col = jnp.where(lane == 0, 1.0, 0.0)
    outs = []
    for i in range(2):
        q = qp[:, i * DH:(i + 1) * DH]
        k = kp[:, i * DH:(i + 1) * DH]
        s = lax.dot_general(
            q, k, (((1,), (1,)), ((), ())), preferred_element_type=F32
        )
        e = jnp.exp(s)
        va = jnp.concatenate([vp[:, i * DH:(i + 1) * DH], ones_col], axis=1)
        oz = jnp.dot(e, va, preferred_element_type=F32)
        outs.append(oz[:, :DH] * lax.reciprocal(oz[:, DH:DH + 1]))
    o_ref[...] = jnp.concatenate(outs, axis=1)


def _attn_call(qkv):
    return pl.pallas_call(
        _attn_body,
        grid=(H // 2, S // _BQ),
        in_specs=[
            pl.BlockSpec((_BQ, 2 * DH), lambda h2, qi: (qi, h2)),
            pl.BlockSpec((S, 2 * DH), lambda h2, qi: (0, 6 + h2)),
            pl.BlockSpec((S, 2 * DH), lambda h2, qi: (0, 12 + h2)),
        ],
        out_specs=pl.BlockSpec((_BQ, 2 * DH), lambda h2, qi: (qi, h2)),
        out_shape=jax.ShapeDtypeStruct((S, D), F32),
    )(qkv, qkv, qkv)


_BR = 512


def _ln(y, g, b):
    m = jnp.mean(y, axis=-1, keepdims=True)
    c = y - m
    v = jnp.mean(c * c, axis=-1, keepdims=True)
    return c * lax.rsqrt(v + 1e-5) * g + b


def _post_body(a_ref, wo_ref, bo_ref, x_ref, g1_ref, be1_ref, wr_ref,
               x1_ref, d0_ref, d1_ref, src_ref, wk_ref, aux_ref, lg_scr):
    i = pl.program_id(0)
    y = (
        jnp.dot(a_ref[...], wo_ref[...], preferred_element_type=F32)
        + bo_ref[...]
        + x_ref[...]
    )
    x1 = _ln(y, g1_ref[...], be1_ref[...])
    x1_ref[...] = x1
    lg_scr[pl.ds(i * _BR, _BR), :] = jnp.dot(
        x1, wr_ref[...], preferred_element_type=F32
    )

    @pl.when(i == S // _BR - 1)
    def _():
        _route_impl(lg_scr[...], d0_ref, d1_ref, src_ref, wk_ref, aux_ref)


def _post_call(attn, wo, bo, x2, g1, be1, wr):
    return pl.pallas_call(
        _post_body,
        grid=(S // _BR,),
        in_specs=[
            pl.BlockSpec((_BR, D), lambda i: (i, 0)),
            pl.BlockSpec((D, D), lambda i: (0, 0)),
            pl.BlockSpec((1, D), lambda i: (0, 0)),
            pl.BlockSpec((_BR, D), lambda i: (i, 0)),
            pl.BlockSpec((1, D), lambda i: (0, 0)),
            pl.BlockSpec((1, D), lambda i: (0, 0)),
            pl.BlockSpec((D, E), lambda i: (0, 0)),
        ],
        out_specs=[
            pl.BlockSpec((_BR, D), lambda i: (i, 0)),
            pl.BlockSpec((S, 1), lambda i: (0, 0)),
            pl.BlockSpec((S, 1), lambda i: (0, 0)),
            pl.BlockSpec((S, K), lambda i: (0, 0)),
            pl.BlockSpec((S, E), lambda i: (0, 0)),
            pl.BlockSpec((8, 128), lambda i: (0, 0)),
        ],
        out_shape=[
            jax.ShapeDtypeStruct((S, D), F32),
            jax.ShapeDtypeStruct((S, 1), jnp.int32),
            jax.ShapeDtypeStruct((S, 1), jnp.int32),
            jax.ShapeDtypeStruct((S, K), jnp.int32),
            jax.ShapeDtypeStruct((S, E), F32),
            jax.ShapeDtypeStruct((8, 128), F32),
        ],
        scratch_shapes=[pltpu.VMEM((S, E), F32)],
    )(attn, wo, bo, x2, g1, be1, wr)


def _excl_cumsum(oh):
    nb, bs = 8, S // 8
    r = lax.broadcasted_iota(jnp.int32, (bs, bs), 0)
    cc = lax.broadcasted_iota(jnp.int32, (bs, bs), 1)
    tri = (r > cc).astype(F32)
    carry = jnp.zeros((1, E), F32)
    outs = []
    for b in range(nb):
        blk = oh[b * bs:(b + 1) * bs, :]
        outs.append(jnp.dot(tri, blk, preferred_element_type=F32) + carry)
        carry = carry + jnp.sum(blk, axis=0, keepdims=True)
    return jnp.concatenate(outs, axis=0), carry


def _route_impl(l, d0_ref, d1_ref, src_ref, wk_ref, aux_ref):
    m = jnp.max(l, axis=-1, keepdims=True)
    ex = jnp.exp(l - m)
    se = jnp.sum(ex, axis=-1, keepdims=True)
    probs = ex / se
    lse = jnp.log(se) + m
    zv = 0.001 * jnp.mean(lse * lse)

    iota8 = lax.broadcasted_iota(jnp.int32, (S, E), 1)
    v1 = jnp.max(probs, axis=-1, keepdims=True)
    i1 = jnp.min(jnp.where(probs == v1, iota8, E), axis=-1, keepdims=True)
    oh0 = (iota8 == i1).astype(F32)
    masked = jnp.where(iota8 == i1, -1.0, probs)
    v2 = jnp.max(masked, axis=-1, keepdims=True)
    i2 = jnp.min(jnp.where(masked == v2, iota8, E), axis=-1, keepdims=True)
    oh1 = (iota8 == i2).astype(F32)

    den = v1 + v2 + 1e-9
    g0 = v1 / den
    g1 = v2 / den

    cum0, c0 = _excl_cumsum(oh0)
    cum1, _ = _excl_cumsum(oh1)
    pos0 = jnp.sum(cum0 * oh0, axis=-1, keepdims=True)
    pos1 = jnp.sum((cum1 + c0) * oh1, axis=-1, keepdims=True)

    cf = jnp.float32(C)
    keep0 = (pos0 < cf).astype(F32)
    keep1 = (pos1 < cf).astype(F32)
    pc0 = jnp.minimum(pos0, cf - 1.0).astype(jnp.int32)
    pc1 = jnp.minimum(pos1, cf - 1.0).astype(jnp.int32)

    t = lax.broadcasted_iota(jnp.int32, (S, 1), 0)
    trash = E * C + t // 64
    dst0 = jnp.where(keep0 > 0.0, i1 * C + pc0, trash)
    dst1 = jnp.where(keep1 > 0.0, i2 * C + pc1, trash)
    src0 = i1 * C + pc0
    src1 = i2 * C + pc1

    d0_ref[...] = dst0
    d1_ref[...] = dst1
    lane2 = lax.broadcasted_iota(jnp.int32, (S, K), 1)
    src_ref[...] = jnp.where(lane2 == 0, src0, src1)
    lane = lax.broadcasted_iota(jnp.int32, (S, E), 1)
    wk = jnp.where(lane == 0, g0 * keep0, jnp.where(lane == 1, g1 * keep1, 0.0))
    wk = jnp.where(lane == 2, keep0, jnp.where(lane == 3, keep1, wk))
    wk_ref[...] = wk

    me = jnp.mean(probs, axis=0, keepdims=True)
    c1 = jnp.sum(oh1, axis=0, keepdims=True)
    ce = (c0 + c1) / jnp.float32(S * K)
    bal = 0.01 * E * jnp.sum(me * ce, keepdims=True)
    row = lax.broadcasted_iota(jnp.int32, (8, 128), 0)
    lane8 = lax.broadcasted_iota(jnp.int32, (8, 128), 1)
    aux = jnp.where((row == 0) & (lane8 == 0), bal, 0.0)
    aux_ref[...] = jnp.where((row == 0) & (lane8 == 1), zv, aux)




_NPT = NENT // 32


def _sc_mesh():
    return plsc.VectorSubcoreMesh(core_axis_name="c", subcore_axis_name="s")


_TPT = S // 32


def _dispatch_body(x1_hbm, d0_hbm, d1_hbm, ein_hbm, d0_v, d1_v, rows_v,
                   sem0, sem1):
    nc = plsc.get_sparse_core_info().num_cores
    wid = lax.axis_index("s") * nc + lax.axis_index("c")
    base = wid * _TPT
    pltpu.sync_copy(d0_hbm.at[pl.ds(base, _TPT)], d0_v)
    pltpu.sync_copy(d1_hbm.at[pl.ds(base, _TPT)], d1_v)
    pltpu.sync_copy(x1_hbm.at[pl.ds(base, _TPT)], rows_v)
    c0 = pltpu.async_copy(rows_v, ein_hbm.at[d0_v], sem0)
    c1 = pltpu.async_copy(rows_v, ein_hbm.at[d1_v], sem1)
    c0.wait()
    c1.wait()


def _dispatch_call(x1, d0_idx, d1_idx):
    fn = pl.kernel(
        _dispatch_body,
        out_type=jax.ShapeDtypeStruct((EIN_ROWS, D), F32),
        mesh=_sc_mesh(),
        scratch_types=[
            pltpu.VMEM((_TPT,), jnp.int32),
            pltpu.VMEM((_TPT,), jnp.int32),
            pltpu.VMEM((_TPT, D), F32),
            pltpu.SemaphoreType.DMA,
            pltpu.SemaphoreType.DMA,
        ],
    )
    return fn(x1, d0_idx, d1_idx)


def _combine_body(y_hbm, src_hbm, gath_hbm, src_v, rows_v, sem_g):
    nc = plsc.get_sparse_core_info().num_cores
    wid = lax.axis_index("s") * nc + lax.axis_index("c")
    base = wid * _NPT
    pltpu.sync_copy(src_hbm.at[pl.ds(base, _NPT)], src_v)
    pltpu.async_copy(y_hbm.at[src_v], rows_v, sem_g).wait()
    pltpu.sync_copy(rows_v, gath_hbm.at[pl.ds(base, _NPT)])


def _combine_call(y, src_idx):
    fn = pl.kernel(
        _combine_body,
        out_type=jax.ShapeDtypeStruct((NENT, D), F32),
        mesh=_sc_mesh(),
        scratch_types=[
            pltpu.VMEM((_NPT,), jnp.int32),
            pltpu.VMEM((_NPT, D), F32),
            pltpu.SemaphoreType.DMA,
        ],
    )
    return fn(y, src_idx)


def _ffn_body(ein_ref, w1_ref, b1_ref, w2_ref, b2_ref, y_ref):
    h = jnp.maximum(
        jnp.dot(ein_ref[...], w1_ref[0], preferred_element_type=F32)
        + b1_ref[0],
        0.0,
    )
    y_ref[...] = jnp.dot(h, w2_ref[0], preferred_element_type=F32) + b2_ref[0]


def _ffn_call(ein, w1, b1, w2, b2):
    return pl.pallas_call(
        _ffn_body,
        grid=(E,),
        in_specs=[
            pl.BlockSpec((C, D), lambda e: (e, 0)),
            pl.BlockSpec((1, D, DFF), lambda e: (e, 0, 0)),
            pl.BlockSpec((1, 1, DFF), lambda e: (e, 0, 0)),
            pl.BlockSpec((1, DFF, D), lambda e: (e, 0, 0)),
            pl.BlockSpec((1, 1, D), lambda e: (e, 0, 0)),
        ],
        out_specs=pl.BlockSpec((C, D), lambda e: (e, 0)),
        out_shape=jax.ShapeDtypeStruct((E * C, D), F32),
    )(ein, w1, b1.reshape(E, 1, DFF), w2, b2.reshape(E, 1, D))


def _final_body(x1_ref, gth_ref, wk_ref, g2_ref, be2_ref, o_ref):
    g0 = gth_ref[:, 0, :]
    g1 = gth_ref[:, 1, :]
    w0 = wk_ref[:, 0:1]
    w1 = wk_ref[:, 1:2]
    k0 = wk_ref[:, 2:3]
    k1 = wk_ref[:, 3:4]
    moe = jnp.where(k0 > 0.0, w0 * g0, 0.0) + jnp.where(k1 > 0.0, w1 * g1, 0.0)
    o_ref[...] = _ln(x1_ref[...] + moe, g2_ref[...], be2_ref[...])


def _final_call(x1, gath3, wk, g2, be2):
    return pl.pallas_call(
        _final_body,
        grid=(S // _BR,),
        in_specs=[
            pl.BlockSpec((_BR, D), lambda i: (i, 0)),
            pl.BlockSpec((_BR, K, D), lambda i: (i, 0, 0)),
            pl.BlockSpec((_BR, E), lambda i: (i, 0)),
            pl.BlockSpec((1, D), lambda i: (0, 0)),
            pl.BlockSpec((1, D), lambda i: (0, 0)),
        ],
        out_specs=pl.BlockSpec((_BR, D), lambda i: (i, 0)),
        out_shape=jax.ShapeDtypeStruct((S, D), F32),
    )(x1, gath3, wk, g2, be2)


@jax.jit
def kernel(x, Wq, bq, Wk, bk, Wv, bv, Wo, bo, g1, be1, g2, be2, Wr, W1, b1,
           W2, b2):
    x2 = x.reshape(S, D)
    qkv = _qkv_call(x2, Wq, Wk, Wv, bq, bk, bv)
    attn = _attn_call(qkv)

    x1, d0_f, d1_f, src_f, wk, aux = _post_call(
        attn, Wo, bo.reshape(1, D), x2,
        g1.reshape(1, D), be1.reshape(1, D), Wr)
    src_idx = src_f.reshape(NENT)

    ein = _dispatch_call(x1, d0_f.reshape(S), d1_f.reshape(S))
    y = _ffn_call(ein, W1, b1, W2, b2)
    gath = _combine_call(y, src_idx)

    out2 = _final_call(x1, gath.reshape(S, K, D), wk, g2.reshape(1, D),
                       be2.reshape(1, D))
    bal = aux[0, 0]
    z = aux[0, 1]
    return (out2.reshape(x.shape), bal + z, bal, z)

# --- scband reference (transcript-rebuilt; emitter-appended) ---
"""Pipeline reference for scband-mo-aetrasnformer-block-89850715833125 (READ-ONLY COPY).

The authoritative reference and input builder live on the scoring server;
editing this copy changes nothing except your own understanding.
"""

import jax, jax.numpy as jnp
import numpy as np

B, S, D, H = 1, 2048, 768, 12
E, K, DFF = 8, 2, 1536
CAPF = 1.25

def _ln(x, g, b):
    m = jnp.mean(x, axis=-1, keepdims=True)
    v = jnp.var(x, axis=-1, keepdims=True)
    return (x - m) / jnp.sqrt(v + 1e-5) * g + b

def _mha(x, Wq, bq, Wk, bk, Wv, bv, Wo, bo):
    b, s, d = x.shape
    dh = d // H
    q = (x @ Wq + bq).reshape(b, s, H, dh).transpose(0, 2, 1, 3)
    k = (x @ Wk + bk).reshape(b, s, H, dh).transpose(0, 2, 1, 3)
    v = (x @ Wv + bv).reshape(b, s, H, dh).transpose(0, 2, 1, 3)
    a = jax.nn.softmax(jnp.einsum('bhqd,bhkd->bhqk', q, k) / np.sqrt(dh).astype(np.float32), axis=-1)
    o = jnp.einsum('bhqk,bhkd->bhqd', a, v).transpose(0, 2, 1, 3).reshape(b, s, d)
    return o @ Wo + bo

def _moe(flat, Wr, W1, b1, W2, b2):
    T, d = flat.shape
    C = int(CAPF * K * T / E)
    logits = flat @ Wr
    z = 0.001 * jnp.mean(jax.nn.logsumexp(logits, axis=-1) ** 2)
    probs = jax.nn.softmax(logits, axis=-1)
    topv, topi = jax.lax.top_k(probs, K)
    gates = topv / (jnp.sum(topv, axis=-1, keepdims=True) + 1e-9)
    oh = jax.nn.one_hot(topi, E, dtype=jnp.int32)
    oh_sm = jnp.transpose(oh, (1, 0, 2)).reshape(K * T, E)
    pos_sm = jnp.cumsum(oh_sm, axis=0) - oh_sm
    pos = jnp.sum(pos_sm * oh_sm, axis=-1).reshape(K, T).T
    keep = (pos < C).astype(flat.dtype)
    pos_c = jnp.clip(pos, 0, C - 1)
    e_flat = topi.reshape(-1)
    p_flat = pos_c.reshape(-1)
    vals = (flat[:, None, :] * keep[:, :, None]).reshape(T * K, d)
    ein = jnp.zeros((E, C, d), flat.dtype).at[e_flat, p_flat].add(vals)
    h = jax.nn.relu(jnp.einsum('ecd,edf->ecf', ein, W1) + b1[:, None, :])
    y = jnp.einsum('ecf,efd->ecd', h, W2) + b2[:, None, :]
    ytok = y[e_flat, p_flat].reshape(T, K, d)
    out = jnp.sum(ytok * (gates * keep)[:, :, None], axis=1)
    me = jnp.mean(probs, axis=0)
    ce = jnp.mean(jnp.sum(oh.astype(flat.dtype), axis=1), axis=0) / K
    bal = 0.01 * E * jnp.sum(me * ce)
    return out, bal, z

def setup_inputs(seed: int = 0):
    key = jax.random.key(seed)
    ks = jax.random.split(key, 12)
    p = lambda k, s: jax.random.normal(k, s, jnp.float32) * 0.02
    return {
        'x': jax.random.normal(ks[0], (B, S, D), jnp.float32),
        'Wq': p(ks[1], (D, D)), 'bq': jnp.zeros((D,), jnp.float32),
        'Wk': p(ks[2], (D, D)), 'bk': jnp.zeros((D,), jnp.float32),
        'Wv': p(ks[3], (D, D)), 'bv': jnp.zeros((D,), jnp.float32),
        'Wo': p(ks[4], (D, D)), 'bo': jnp.zeros((D,), jnp.float32),
        'g1': jnp.ones((D,), jnp.float32), 'be1': jnp.zeros((D,), jnp.float32),
        'g2': jnp.ones((D,), jnp.float32), 'be2': jnp.zeros((D,), jnp.float32),
        'Wr': p(ks[5], (D, E)),
        'W1': p(ks[6], (E, D, DFF)), 'b1': jnp.zeros((E, DFF), jnp.float32),
        'W2': p(ks[7], (E, DFF, D)), 'b2': jnp.zeros((E, D), jnp.float32),
    }

def reference(x, Wq, bq, Wk, bk, Wv, bv, Wo, bo, g1, be1, g2, be2, Wr, W1, b1, W2, b2):
    attn = _mha(x, Wq, bq, Wk, bk, Wv, bv, Wo, bo)
    x1 = _ln(x + attn, g1, be1)
    moe_out, bal, z = _moe(x1.reshape(-1, x1.shape[-1]), Wr, W1, b1, W2, b2)
    total = bal + z
    out = _ln(x1 + moe_out.reshape(x1.shape), g2, be2)
    return (out, total, bal, z)

if __name__ == "__main__":
    import jax
    _d = setup_inputs()
    print(jax.jit(kernel)(*tuple(_d.values())))

</pallas_src>

<mosaic_0001>
#map = affine_map<(d0, d1) -> (0, 0)>
#map1 = affine_map<(d0, d1) -> (0)>
module attributes {stable_mosaic.version = 14 : i64} {
  func.func @_combine_body(%arg0: i32, %arg1: i32, %arg2: memref<5120x768xf32, #tpu.memory_space<hbm>>, %arg3: memref<4096xi32, #tpu.memory_space<hbm>>, %arg4: memref<4096x768xf32, #tpu.memory_space<hbm>>, %arg5: memref<128xi32, #tpu.memory_space<vmem>>, %arg6: memref<128x768xf32, #tpu.memory_space<vmem>>, %arg7: memref<!tpu.dma_semaphore, #tpu.memory_space<semaphore_mem>>) attributes {dimension_semantics = [#tpu.dimension_semantics<core_parallel>, #tpu.dimension_semantics<subcore_parallel>], iteration_bounds = array<i64: 2, 16>, scalar_prefetch = 0 : i64, scratch_operands = 3 : i64, tpu.core_type = #tpu.core_type<sc_vector_subcore>, window_params = [{transform_indices = #map}, {transform_indices = #map1}, {transform_indices = #map}]} {
    %mul3A = arith.constant 2 : i32
    %mul3A_0 = arith.muli %arg1, %mul3A : i32
    %add3A = arith.addi %mul3A_0, %arg0 : i32
    %mul3A_1 = arith.constant 128 : i32
    %mul3A_2 = arith.muli %add3A, %mul3A_1 : i32
    "tpu.region"() ({
      %run_scoped3A = tpu.sem_alloc : memref<!tpu.dma_semaphore, #tpu.memory_space<semaphore_mem>>
      %dma_start3A_7 = tpu.memref_slice %arg3[%mul3A_2] : memref<4096xi32, #tpu.memory_space<hbm>> -> memref<128xi32, #tpu.memory_space<hbm>>
      %dma_start3A_8 = tpu.memref_slice %arg3[%mul3A_2] : memref<4096xi32, #tpu.memory_space<hbm>> -> memref<128xi32, #tpu.memory_space<hbm>>
      tpu.enqueue_dma source(%dma_start3A_8 : memref<128xi32, #tpu.memory_space<hbm>>) target(%arg5 : memref<128xi32, #tpu.memory_space<vmem>>) target_semaphore(%run_scoped3A : memref<!tpu.dma_semaphore, #tpu.memory_space<semaphore_mem>>)
      %dma_wait3A_9 = tpu.memref_slice %arg3[%mul3A_2] : memref<4096xi32, #tpu.memory_space<hbm>> -> memref<128xi32, #tpu.memory_space<hbm>>
      %dma_wait3A_10 = tpu.memref_slice %arg3[%mul3A_2] : memref<4096xi32, #tpu.memory_space<hbm>> -> memref<128xi32, #tpu.memory_space<hbm>>
      tpu.wait_dma2 semaphore(%run_scoped3A : memref<!tpu.dma_semaphore, #tpu.memory_space<semaphore_mem>>) src(%dma_wait3A_10 : memref<128xi32, #tpu.memory_space<hbm>>) dst(%arg5 : memref<128xi32, #tpu.memory_space<vmem>>)
      tpu.yield
    }) : () -> ()
    %dma_start3A = arith.constant 0 : i32
    %dma_start3A_3 = arith.constant 0 : i32
    %dma_start3A_4 = tpu.memref_slice %arg2[%dma_start3A, %dma_start3A_3] : memref<5120x768xf32, #tpu.memory_space<hbm>> -> memref<5120x768xf32, #tpu.memory_space<hbm>>
    tpu.enqueue_indirect_dma source(%dma_start3A_4 : memref<5120x768xf32, #tpu.memory_space<hbm>>) target(%arg6 : memref<128x768xf32, #tpu.memory_space<vmem>>) offsets(%arg5 : memref<128xi32, #tpu.memory_space<vmem>>) semaphore(%arg7 : memref<!tpu.dma_semaphore, #tpu.memory_space<semaphore_mem>>)
    %dma_wait3A = arith.constant 0 : i32
    %dma_wait3A_5 = arith.constant 0 : i32
    %dma_wait3A_6 = tpu.memref_slice %arg2[%dma_wait3A, %dma_wait3A_5] : memref<5120x768xf32, #tpu.memory_space<hbm>> -> memref<5120x768xf32, #tpu.memory_space<hbm>>
    tpu.wait_indirect_dma semaphore(%arg7 : memref<!tpu.dma_semaphore, #tpu.memory_space<semaphore_mem>>) src(%dma_wait3A_6 : memref<5120x768xf32, #tpu.memory_space<hbm>>) dst(%arg6 : memref<128x768xf32, #tpu.memory_space<vmem>>)
    "tpu.region"() ({
      %run_scoped3A = tpu.sem_alloc : memref<!tpu.dma_semaphore, #tpu.memory_space<semaphore_mem>>
      %dma_start3A_7 = arith.constant 0 : i32
      %dma_start3A_8 = tpu.memref_slice %arg4[%mul3A_2, %dma_start3A_7] : memref<4096x768xf32, #tpu.memory_space<hbm>> -> memref<128x768xf32, #tpu.memory_space<hbm>>
      %dma_start3A_9 = arith.constant 0 : i32
      %dma_start3A_10 = tpu.memref_slice %arg4[%mul3A_2, %dma_start3A_9] : memref<4096x768xf32, #tpu.memory_space<hbm>> -> memref<128x768xf32, #tpu.memory_space<hbm>>
      tpu.enqueue_dma source(%arg6 : memref<128x768xf32, #tpu.memory_space<vmem>>) target(%dma_start3A_10 : memref<128x768xf32, #tpu.memory_space<hbm>>) target_semaphore(%run_scoped3A : memref<!tpu.dma_semaphore, #tpu.memory_space<semaphore_mem>>)
      %dma_wait3A_11 = arith.constant 0 : i32
      %dma_wait3A_12 = tpu.memref_slice %arg4[%mul3A_2, %dma_wait3A_11] : memref<4096x768xf32, #tpu.memory_space<hbm>> -> memref<128x768xf32, #tpu.memory_space<hbm>>
      %dma_wait3A_13 = arith.constant 0 : i32
      %dma_wait3A_14 = tpu.memref_slice %arg4[%mul3A_2, %dma_wait3A_13] : memref<4096x768xf32, #tpu.memory_space<hbm>> -> memref<128x768xf32, #tpu.memory_space<hbm>>
      tpu.wait_dma2 semaphore(%run_scoped3A : memref<!tpu.dma_semaphore, #tpu.memory_space<semaphore_mem>>) src(%arg6 : memref<128x768xf32, #tpu.memory_space<vmem>>) dst(%dma_wait3A_14 : memref<128x768xf32, #tpu.memory_space<hbm>>)
      tpu.yield
    }) : () -> ()
    return
  }
}

#map = affine_map<(d0, d1) -> (0, 0)>
#map1 = affine_map<(d0, d1) -> (0)>
module attributes {stable_mosaic.version = 14 : i64} {
  func.func @_dispatch_body(%arg0: i32, %arg1: i32, %arg2: memref<2048x768xf32, #tpu.memory_space<hbm>>, %arg3: memref<2048xi32, #tpu.memory_space<hbm>>, %arg4: memref<2048xi32, #tpu.memory_space<hbm>>, %arg5: memref<5152x768xf32, #tpu.memory_space<hbm>>, %arg6: memref<64xi32, #tpu.memory_space<vmem>>, %arg7: memref<64xi32, #tpu.memory_space<vmem>>, %arg8: memref<64x768xf32, #tpu.memory_space<vmem>>, %arg9: memref<!tpu.dma_semaphore, #tpu.memory_space<semaphore_mem>>, %arg10: memref<!tpu.dma_semaphore, #tpu.memory_space<semaphore_mem>>) attributes {dimension_semantics = [#tpu.dimension_semantics<core_parallel>, #tpu.dimension_semantics<subcore_parallel>], iteration_bounds = array<i64: 2, 16>, scalar_prefetch = 0 : i64, scratch_operands = 5 : i64, tpu.core_type = #tpu.core_type<sc_vector_subcore>, window_params = [{transform_indices = #map}, {transform_indices = #map1}, {transform_indices = #map1}, {transform_indices = #map}]} {
    %mul3A = arith.constant 2 : i32
    %mul3A_0 = arith.muli %arg1, %mul3A : i32
    %add3A = arith.addi %mul3A_0, %arg0 : i32
    %mul3A_1 = arith.constant 64 : i32
    %mul3A_2 = arith.muli %add3A, %mul3A_1 : i32
    "tpu.region"() ({
      %run_scoped3A = tpu.sem_alloc : memref<!tpu.dma_semaphore, #tpu.memory_space<semaphore_mem>>
      %dma_start3A_13 = tpu.memref_slice %arg3[%mul3A_2] : memref<2048xi32, #tpu.memory_space<hbm>> -> memref<64xi32, #tpu.memory_space<hbm>>
      %dma_start3A_14 = tpu.memref_slice %arg3[%mul3A_2] : memref<2048xi32, #tpu.memory_space<hbm>> -> memref<64xi32, #tpu.memory_space<hbm>>
      tpu.enqueue_dma source(%dma_start3A_14 : memref<64xi32, #tpu.memory_space<hbm>>) target(%arg6 : memref<64xi32, #tpu.memory_space<vmem>>) target_semaphore(%run_scoped3A : memref<!tpu.dma_semaphore, #tpu.memory_space<semaphore_mem>>)
      %dma_wait3A_15 = tpu.memref_slice %arg3[%mul3A_2] : memref<2048xi32, #tpu.memory_space<hbm>> -> memref<64xi32, #tpu.memory_space<hbm>>
      %dma_wait3A_16 = tpu.memref_slice %arg3[%mul3A_2] : memref<2048xi32, #tpu.memory_space<hbm>> -> memref<64xi32, #tpu.memory_space<hbm>>
      tpu.wait_dma2 semaphore(%run_scoped3A : memref<!tpu.dma_semaphore, #tpu.memory_space<semaphore_mem>>) src(%dma_wait3A_16 : memref<64xi32, #tpu.memory_space<hbm>>) dst(%arg6 : memref<64xi32, #tpu.memory_space<vmem>>)
      tpu.yield
    }) : () -> ()
    "tpu.region"() ({
      %run_scoped3A = tpu.sem_alloc : memref<!tpu.dma_semaphore, #tpu.memory_space<semaphore_mem>>
      %dma_start3A_13 = tpu.memref_slice %arg4[%mul3A_2] : memref<2048xi32, #tpu.memory_space<hbm>> -> memref<64xi32, #tpu.memory_space<hbm>>
      %dma_start3A_14 = tpu.memref_slice %arg4[%mul3A_2] : memref<2048xi32, #tpu.memory_space<hbm>> -> memref<64xi32, #tpu.memory_space<hbm>>
      tpu.enqueue_dma source(%dma_start3A_14 : memref<64xi32, #tpu.memory_space<hbm>>) target(%arg7 : memref<64xi32, #tpu.memory_space<vmem>>) target_semaphore(%run_scoped3A : memref<!tpu.dma_semaphore, #tpu.memory_space<semaphore_mem>>)
      %dma_wait3A_15 = tpu.memref_slice %arg4[%mul3A_2] : memref<2048xi32, #tpu.memory_space<hbm>> -> memref<64xi32, #tpu.memory_space<hbm>>
      %dma_wait3A_16 = tpu.memref_slice %arg4[%mul3A_2] : memref<2048xi32, #tpu.memory_space<hbm>> -> memref<64xi32, #tpu.memory_space<hbm>>
      tpu.wait_dma2 semaphore(%run_scoped3A : memref<!tpu.dma_semaphore, #tpu.memory_space<semaphore_mem>>) src(%dma_wait3A_16 : memref<64xi32, #tpu.memory_space<hbm>>) dst(%arg7 : memref<64xi32, #tpu.memory_space<vmem>>)
      tpu.yield
    }) : () -> ()
    "tpu.region"() ({
      %run_scoped3A = tpu.sem_alloc : memref<!tpu.dma_semaphore, #tpu.memory_space<semaphore_mem>>
      %dma_start3A_13 = arith.constant 0 : i32
      %dma_start3A_14 = tpu.memref_slice %arg2[%mul3A_2, %dma_start3A_13] : memref<2048x768xf32, #tpu.memory_space<hbm>> -> memref<64x768xf32, #tpu.memory_space<hbm>>
      %dma_start3A_15 = arith.constant 0 : i32
      %dma_start3A_16 = tpu.memref_slice %arg2[%mul3A_2, %dma_start3A_15] : memref<2048x768xf32, #tpu.memory_space<hbm>> -> memref<64x768xf32, #tpu.memory_space<hbm>>
      tpu.enqueue_dma source(%dma_start3A_16 : memref<64x768xf32, #tpu.memory_space<hbm>>) target(%arg8 : memref<64x768xf32, #tpu.memory_space<vmem>>) target_semaphore(%run_scoped3A : memref<!tpu.dma_semaphore, #tpu.memory_space<semaphore_mem>>)
      %dma_wait3A_17 = arith.constant 0 : i32
      %dma_wait3A_18 = tpu.memref_slice %arg2[%mul3A_2, %dma_wait3A_17] : memref<2048x768xf32, #tpu.memory_space<hbm>> -> memref<64x768xf32, #tpu.memory_space<hbm>>
      %dma_wait3A_19 = arith.constant 0 : i32
      %dma_wait3A_20 = tpu.memref_slice %arg2[%mul3A_2, %dma_wait3A_19] : memref<2048x768xf32, #tpu.memory_space<hbm>> -> memref<64x768xf32, #tpu.memory_space<hbm>>
      tpu.wait_dma2 semaphore(%run_scoped3A : memref<!tpu.dma_semaphore, #tpu.memory_space<semaphore_mem>>) src(%dma_wait3A_20 : memref<64x768xf32, #tpu.memory_space<hbm>>) dst(%arg8 : memref<64x768xf32, #tpu.memory_space<vmem>>)
      tpu.yield
    }) : () -> ()
    %dma_start3A = arith.constant 0 : i32
    %dma_start3A_3 = arith.constant 0 : i32
    %dma_start3A_4 = tpu.memref_slice %arg5[%dma_start3A, %dma_start3A_3] : memref<5152x768xf32, #tpu.memory_space<hbm>> -> memref<5152x768xf32, #tpu.memory_space<hbm>>
    tpu.enqueue_indirect_dma source(%arg8 : memref<64x768xf32, #tpu.memory_space<vmem>>) target(%dma_start3A_4 : memref<5152x768xf32, #tpu.memory_space<hbm>>) offsets(%arg6 : memref<64xi32, #tpu.memory_space<vmem>>) semaphore(%arg9 : memref<!tpu.dma_semaphore, #tpu.memory_space<semaphore_mem>>)
    %dma_start3A_5 = arith.constant 0 : i32
    %dma_start3A_6 = arith.constant 0 : i32
    %dma_start3A_7 = tpu.memref_slice %arg5[%dma_start3A_5, %dma_start3A_6] : memref<5152x768xf32, #tpu.memory_space<hbm>> -> memref<5152x768xf32, #tpu.memory_space<hbm>>
    tpu.enqueue_indirect_dma source(%arg8 : memref<64x768xf32, #tpu.memory_space<vmem>>) target(%dma_start3A_7 : memref<5152x768xf32, #tpu.memory_space<hbm>>) offsets(%arg7 : memref<64xi32, #tpu.memory_space<vmem>>) semaphore(%arg10 : memref<!tpu.dma_semaphore, #tpu.memory_space<semaphore_mem>>)
    %dma_wait3A = arith.constant 0 : i32
    %dma_wait3A_8 = arith.constant 0 : i32
    %dma_wait3A_9 = tpu.memref_slice %arg5[%dma_wait3A, %dma_wait3A_8] : memref<5152x768xf32, #tpu.memory_space<hbm>> -> memref<5152x768xf32, #tpu.memory_space<hbm>>
    tpu.wait_indirect_dma semaphore(%arg9 : memref<!tpu.dma_semaphore, #tpu.memory_space<semaphore_mem>>) src(%arg8 : memref<64x768xf32, #tpu.memory_space<vmem>>) dst(%dma_wait3A_9 : memref<5152x768xf32, #tpu.memory_space<hbm>>)
    %dma_wait3A_10 = arith.constant 0 : i32
    %dma_wait3A_11 = arith.constant 0 : i32
    %dma_wait3A_12 = tpu.memref_slice %arg5[%dma_wait3A_10, %dma_wait3A_11] : memref<5152x768xf32, #tpu.memory_space<hbm>> -> memref<5152x768xf32, #tpu.memory_space<hbm>>
    tpu.wait_indirect_dma semaphore(%arg10 : memref<!tpu.dma_semaphore, #tpu.memory_space<semaphore_mem>>) src(%arg8 : memref<64x768xf32, #tpu.memory_space<vmem>>) dst(%dma_wait3A_12 : memref<5152x768xf32, #tpu.memory_space<hbm>>)
    return
  }
}

module attributes {stable_mosaic.version = 14 : i64} {
  func.func @_qkv_body(%arg0: i32, %arg1: memref<512x768xf32, #tpu.memory_space<vmem>>, %arg2: memref<768x768xf32, #tpu.memory_space<vmem>>, %arg3: memref<768x768xf32, #tpu.memory_space<vmem>>, %arg4: memref<768x768xf32, #tpu.memory_space<vmem>>, %arg5: memref<1x768xf32, #tpu.memory_space<vmem>>, %arg6: memref<1x768xf32, #tpu.memory_space<vmem>>, %arg7: memref<1x768xf32, #tpu.memory_space<vmem>>, %arg8: memref<512x2304xf32, #tpu.memory_space<vmem>>) attributes {dimension_semantics = [#tpu.dimension_semantics<arbitrary>], iteration_bounds = array<i64: 4>, scalar_prefetch = 0 : i64, scratch_operands = 0 : i64, tpu.core_type = #tpu.core_type<tc>, window_params = [{transform_indices = @transform_0, window_bounds = array<i64: 512, 768>}, {pipeline_mode = #tpu.pipeline_mode<synchronous>, transform_indices = @transform_1, window_bounds = array<i64: 768, 768>}, {pipeline_mode = #tpu.pipeline_mode<synchronous>, transform_indices = @transform_2, window_bounds = array<i64: 768, 768>}, {pipeline_mode = #tpu.pipeline_mode<synchronous>, transform_indices = @transform_3, window_bounds = array<i64: 768, 768>}, {pipeline_mode = #tpu.pipeline_mode<synchronous>, transform_indices = @transform_4, window_bounds = array<i64: 1, 768>}, {pipeline_mode = #tpu.pipeline_mode<synchronous>, transform_indices = @transform_5, window_bounds = array<i64: 1, 768>}, {pipeline_mode = #tpu.pipeline_mode<synchronous>, transform_indices = @transform_6, window_bounds = array<i64: 1, 768>}, {transform_indices = @transform_7, window_bounds = array<i64: 512, 2304>}]} {
    %get3A = arith.constant 0 : index
    %get3A_0 = arith.constant 0 : index
    %get3A_1 = vector.load %arg1[%get3A, %get3A_0] : memref<512x768xf32, #tpu.memory_space<vmem>>, vector<512x768xf32>
    %get3A_2 = arith.constant 0 : index
    %get3A_3 = arith.constant 0 : index
    %get3A_4 = vector.load %arg2[%get3A_2, %get3A_3] : memref<768x768xf32, #tpu.memory_space<vmem>>, vector<768x768xf32>
    %dot_general3A = arith.constant dense<0.000000e+00> : vector<512x768xf32>
    %dot_general3A_5 = tpu.matmul %get3A_1, %get3A_4, %dot_general3A {dimension_numbers = #tpu.dot_dimension_numbers<[1], [0], [0], [1], [0, 0, 1, 1], [], []>, transpose_lhs_hint = false} : vector<512x768xf32>, vector<768x768xf32>, vector<512x768xf32> -> vector<512x768xf32>
    %get3A_6 = arith.constant 0 : index
    %get3A_7 = arith.constant 0 : index
    %get3A_8 = vector.load %arg5[%get3A_6, %get3A_7] : memref<1x768xf32, #tpu.memory_space<vmem>>, vector<1x768xf32>
    %add3A = vector.broadcast %get3A_8 : vector<1x768xf32> to vector<512x768xf32>
    %add3A_9 = arith.addf %dot_general3A_5, %add3A : vector<512x768xf32>
    %swap3A = arith.constant 0 : index
    %swap3A_10 = arith.constant 0 : index
    %swap3A_11 = vector.load %arg8[%swap3A, %swap3A_10] : memref<512x2304xf32, #tpu.memory_space<vmem>>, vector<512x768xf32>
    tpu.vector_store %arg8[%swap3A, %swap3A_10], %add3A_9 {strides = array<i32>} : memref<512x2304xf32, #tpu.memory_space<vmem>>, vector<512x768xf32>,
    %get3A_12 = arith.constant 0 : index
    %get3A_13 = arith.constant 0 : index
    %get3A_14 = vector.load %arg3[%get3A_12, %get3A_13] : memref<768x768xf32, #tpu.memory_space<vmem>>, vector<768x768xf32>
    %dot_general3A_15 = arith.constant dense<0.000000e+00> : vector<512x768xf32>
    %dot_general3A_16 = tpu.matmul %get3A_1, %get3A_14, %dot_general3A_15 {dimension_numbers = #tpu.dot_dimension_numbers<[1], [0], [0], [1], [0, 0, 1, 1], [], []>, transpose_lhs_hint = false} : vector<512x768xf32>, vector<768x768xf32>, vector<512x768xf32> -> vector<512x768xf32>
    %get3A_17 = arith.constant 0 : index
    %get3A_18 = arith.constant 0 : index
    %get3A_19 = vector.load %arg6[%get3A_17, %get3A_18] : memref<1x768xf32, #tpu.memory_space<vmem>>, vector<1x768xf32>
    %add3A_20 = vector.broadcast %get3A_19 : vector<1x768xf32> to vector<512x768xf32>
    %add3A_21 = arith.addf %dot_general3A_16, %add3A_20 : vector<512x768xf32>
    %swap3A_22 = arith.constant 0 : index
    %swap3A_23 = arith.constant 768 : index
    %swap3A_24 = vector.load %arg8[%swap3A_22, %swap3A_23] : memref<512x2304xf32, #tpu.memory_space<vmem>>, vector<512x768xf32>
    tpu.vector_store %arg8[%swap3A_22, %swap3A_23], %add3A_21 {strides = array<i32>} : memref<512x2304xf32, #tpu.memory_space<vmem>>, vector<512x768xf32>,
    %get3A_25 = arith.constant 0 : index
    %get3A_26 = arith.constant 0 : index
    %get3A_27 = vector.load %arg4[%get3A_25, %get3A_26] : memref<768x768xf32, #tpu.memory_space<vmem>>, vector<768x768xf32>
    %dot_general3A_28 = arith.constant dense<0.000000e+00> : vector<512x768xf32>
    %dot_general3A_29 = tpu.matmul %get3A_1, %get3A_27, %dot_general3A_28 {dimension_numbers = #tpu.dot_dimension_numbers<[1], [0], [0], [1], [0, 0, 1, 1], [], []>, transpose_lhs_hint = false} : vector<512x768xf32>, vector<768x768xf32>, vector<512x768xf32> -> vector<512x768xf32>
    %get3A_30 = arith.constant 0 : index
    %get3A_31 = arith.constant 0 : index
    %get3A_32 = vector.load %arg7[%get3A_30, %get3A_31] : memref<1x768xf32, #tpu.memory_space<vmem>>, vector<1x768xf32>
    %add3A_33 = vector.broadcast %get3A_32 : vector<1x768xf32> to vector<512x768xf32>
    %add3A_34 = arith.addf %dot_general3A_29, %add3A_33 : vector<512x768xf32>
    %swap3A_35 = arith.constant 0 : index
    %swap3A_36 = arith.constant 1536 : index
    %swap3A_37 = vector.load %arg8[%swap3A_35, %swap3A_36] : memref<512x2304xf32, #tpu.memory_space<vmem>>, vector<512x768xf32>
    tpu.vector_store %arg8[%swap3A_35, %swap3A_36], %add3A_34 {strides = array<i32>} : memref<512x2304xf32, #tpu.memory_space<vmem>>, vector<512x768xf32>,
    return
  }
  func.func @transform_0(%arg0: i32) -> (i32, i32) {
    %c0_i32 = arith.constant 0 : i32
    %c0_i32_0 = arith.constant 0 : i32
    return %arg0, %c0_i32 : i32, i32
  }
  func.func @transform_1(%arg0: i32) -> (i32, i32) {
    %c0_i32 = arith.constant 0 : i32
    %c0_i32_0 = arith.constant 0 : i32
    %c0_i32_1 = arith.constant 0 : i32
    return %c0_i32, %c0_i32_0 : i32, i32
  }
  func.func @transform_2(%arg0: i32) -> (i32, i32) {
    %c0_i32 = arith.constant 0 : i32
    %c0_i32_0 = arith.constant 0 : i32
    %c0_i32_1 = arith.constant 0 : i32
    return %c0_i32, %c0_i32_0 : i32, i32
  }
  func.func @transform_3(%arg0: i32) -> (i32, i32) {
    %c0_i32 = arith.constant 0 : i32
    %c0_i32_0 = arith.constant 0 : i32
    %c0_i32_1 = arith.constant 0 : i32
    return %c0_i32, %c0_i32_0 : i32, i32
  }
  func.func @transform_4(%arg0: i32) -> (i32, i32) {
    %c0_i32 = arith.constant 0 : i32
    %c0_i32_0 = arith.constant 0 : i32
    %c0_i32_1 = arith.constant 0 : i32
    return %c0_i32, %c0_i32_0 : i32, i32
  }
  func.func @transform_5(%arg0: i32) -> (i32, i32) {
    %c0_i32 = arith.constant 0 : i32
    %c0_i32_0 = arith.constant 0 : i32
    %c0_i32_1 = arith.constant 0 : i32
    return %c0_i32, %c0_i32_0 : i32, i32
  }
  func.func @transform_6(%arg0: i32) -> (i32, i32) {
    %c0_i32 = arith.constant 0 : i32
    %c0_i32_0 = arith.constant 0 : i32
    %c0_i32_1 = arith.constant 0 : i32
    return %c0_i32, %c0_i32_0 : i32, i32
  }
  func.func @transform_7(%arg0: i32) -> (i32, i32) {
    %c0_i32 = arith.constant 0 : i32
    %c0_i32_0 = arith.constant 0 : i32
    return %arg0, %c0_i32 : i32, i32
  }
}

module attributes {stable_mosaic.version = 14 : i64} {
  func.func @_post_body(%arg0: i32, %arg1: memref<512x768xf32, #tpu.memory_space<vmem>>, %arg2: memref<768x768xf32, #tpu.memory_space<vmem>>, %arg3: memref<1x768xf32, #tpu.memory_space<vmem>>, %arg4: memref<512x768xf32, #tpu.memory_space<vmem>>, %arg5: memref<1x768xf32, #tpu.memory_space<vmem>>, %arg6: memref<1x768xf32, #tpu.memory_space<vmem>>, %arg7: memref<768x8xf32, #tpu.memory_space<vmem>>, %arg8: memref<512x768xf32, #tpu.memory_space<vmem>>, %arg9: memref<2048x1xi32, #tpu.memory_space<vmem>>, %arg10: memref<2048x1xi32, #tpu.memory_space<vmem>>, %arg11: memref<2048x2xi32, #tpu.memory_space<vmem>>, %arg12: memref<2048x8xf32, #tpu.memory_space<vmem>>, %arg13: memref<8x128xf32, #tpu.memory_space<vmem>>, %arg14: memref<2048x8xf32, #tpu.memory_space<vmem>>) attributes {dimension_semantics = [#tpu.dimension_semantics<arbitrary>], iteration_bounds = array<i64: 4>, scalar_prefetch = 0 : i64, scratch_operands = 1 : i64, tpu.core_type = #tpu.core_type<tc>, window_params = [{transform_indices = @transform_0, window_bounds = array<i64: 512, 768>}, {pipeline_mode = #tpu.pipeline_mode<synchronous>, transform_indices = @transform_1, window_bounds = array<i64: 768, 768>}, {pipeline_mode = #tpu.pipeline_mode<synchronous>, transform_indices = @transform_2, window_bounds = array<i64: 1, 768>}, {transform_indices = @transform_3, window_bounds = array<i64: 512, 768>}, {pipeline_mode = #tpu.pipeline_mode<synchronous>, transform_indices = @transform_4, window_bounds = array<i64: 1, 768>}, {pipeline_mode = #tpu.pipeline_mode<synchronous>, transform_indices = @transform_5, window_bounds = array<i64: 1, 768>}, {pipeline_mode = #tpu.pipeline_mode<synchronous>, transform_indices = @transform_6, window_bounds = array<i64: 768, 8>}, {transform_indices = @transform_7, window_bounds = array<i64: 512, 768>}, {pipeline_mode = #tpu.pipeline_mode<synchronous>, transform_indices = @transform_8, window_bounds = array<i64: 2048, 1>}, {pipeline_mode = #tpu.pipeline_mode<synchronous>, transform_indices = @transform_9, window_bounds = array<i64: 2048, 1>}, {pipeline_mode = #tpu.pipeline_mode<synchronous>, transform_indices = @transform_10, window_bounds = array<i64: 2048, 2>}, {pipeline_mode = #tpu.pipeline_mode<synchronous>, transform_indices = @transform_11, window_bounds = array<i64: 2048, 8>}, {pipeline_mode = #tpu.pipeline_mode<synchronous>, transform_indices = @transform_12, window_bounds = array<i64: 8, 128>}]} {
    %get3A = arith.constant 0 : index
    %get3A_0 = arith.constant 0 : index
    %get3A_1 = vector.load %arg1[%get3A, %get3A_0] : memref<512x768xf32, #tpu.memory_space<vmem>>, vector<512x768xf32>
    %get3A_2 = arith.constant 0 : index
    %get3A_3 = arith.constant 0 : index
    %get3A_4 = vector.load %arg2[%get3A_2, %get3A_3] : memref<768x768xf32, #tpu.memory_space<vmem>>, vector<768x768xf32>
    %dot_general3A = arith.constant dense<0.000000e+00> : vector<512x768xf32>
    %dot_general3A_5 = tpu.matmul %get3A_1, %get3A_4, %dot_general3A {dimension_numbers = #tpu.dot_dimension_numbers<[1], [0], [0], [1], [0, 0, 1, 1], [], []>, transpose_lhs_hint = false} : vector<512x768xf32>, vector<768x768xf32>, vector<512x768xf32> -> vector<512x768xf32>
    %get3A_6 = arith.constant 0 : index
    %get3A_7 = arith.constant 0 : index
    %get3A_8 = vector.load %arg3[%get3A_6, %get3A_7] : memref<1x768xf32, #tpu.memory_space<vmem>>, vector<1x768xf32>
    %add3A = vector.broadcast %get3A_8 : vector<1x768xf32> to vector<512x768xf32>
    %add3A_9 = arith.addf %dot_general3A_5, %add3A : vector<512x768xf32>
    %get3A_10 = arith.constant 0 : index
    %get3A_11 = arith.constant 0 : index
    %get3A_12 = vector.load %arg4[%get3A_10, %get3A_11] : memref<512x768xf32, #tpu.memory_space<vmem>>, vector<512x768xf32>
    %add3A_13 = arith.addf %add3A_9, %get3A_12 : vector<512x768xf32>
    %get3A_14 = arith.constant 0 : index
    %get3A_15 = arith.constant 0 : index
    %get3A_16 = vector.load %arg5[%get3A_14, %get3A_15] : memref<1x768xf32, #tpu.memory_space<vmem>>, vector<1x768xf32>
    %get3A_17 = arith.constant 0 : index
    %get3A_18 = arith.constant 0 : index
    %get3A_19 = vector.load %arg6[%get3A_17, %get3A_18] : memref<1x768xf32, #tpu.memory_space<vmem>>, vector<1x768xf32>
    %reduce_sum3A = arith.constant dense<0.000000e+00> : vector<512xf32>
    %reduce_sum3A_20 = vector.multi_reduction <add>, %add3A_13, %reduce_sum3A [1] : vector<512x768xf32> to vector<512xf32>
    %broadcast_in_dim3A = vector.shape_cast %reduce_sum3A_20 : vector<512xf32> to vector<512x1xf32>
    %div3A = arith.constant 7.680000e+02 : f32
    %div3A_21 = vector.broadcast %div3A : f32 to vector<512x1xf32>
    %div3A_22 = arith.divf %broadcast_in_dim3A, %div3A_21 : vector<512x1xf32>
    %jit3A = arith.constant 0 : i32
    %reduce_sum3A_23 = arith.constant dense<0.000000e+00> : vector<512xf32>
    %reduce_sum3A_24 = vector.multi_reduction <add>, %add3A_13, %reduce_sum3A_23 [1] : vector<512x768xf32> to vector<512xf32>
    %broadcast_in_dim3A_25 = vector.shape_cast %reduce_sum3A_24 : vector<512xf32> to vector<512x1xf32>
    %div3A_26 = arith.constant 7.680000e+02 : f32
    %div3A_27 = vector.broadcast %div3A_26 : f32 to vector<512x1xf32>
    %div3A_28 = arith.divf %broadcast_in_dim3A_25, %div3A_27 : vector<512x1xf32>
    %sub3A = vector.broadcast %div3A_28 : vector<512x1xf32> to vector<512x768xf32>
    %sub3A_29 = arith.subf %add3A_13, %sub3A : vector<512x768xf32>
    %square3A = arith.mulf %sub3A_29, %sub3A_29 : vector<512x768xf32>
    %convert_element_type3A = arith.sitofp %jit3A : i32 to f32
    %sub3A_30 = arith.constant 7.680000e+02 : f32
    %sub3A_31 = arith.subf %sub3A_30, %convert_element_type3A : f32
    %reduce_sum3A_32 = arith.constant dense<0.000000e+00> : vector<512xf32>
    %reduce_sum3A_33 = vector.multi_reduction <add>, %square3A, %reduce_sum3A_32 [1] : vector<512x768xf32> to vector<512xf32>
    %broadcast_in_dim3A_34 = vector.shape_cast %reduce_sum3A_33 : vector<512xf32> to vector<512x1xf32>
    %div3A_35 = vector.broadcast %sub3A_31 : f32 to vector<512x1xf32>
    %div3A_36 = arith.divf %broadcast_in_dim3A_34, %div3A_35 : vector<512x1xf32>
    %gt3A = arith.constant 0.000000e+00 : f32
    %gt3A_37 = arith.cmpf ogt, %sub3A_31, %gt3A : f32
    %jit3A_38 = arith.constant 0x7FC00000 : f32
    %broadcast_in_dim3A_39 = vector.broadcast %jit3A_38 : f32 to vector<512x1xf32>
    %select_n3A = arith.select %gt3A_37, %div3A_36, %broadcast_in_dim3A_39 : vector<512x1xf32>
    %sub3A_40 = vector.broadcast %div3A_22 : vector<512x1xf32> to vector<512x768xf32>
    %sub3A_41 = arith.subf %add3A_13, %sub3A_40 : vector<512x768xf32>
    %add3A_42 = arith.constant 9.99999974E-6 : f32
    %add3A_43 = vector.broadcast %add3A_42 : f32 to vector<512x1xf32>
    %add3A_44 = arith.addf %select_n3A, %add3A_43 : vector<512x1xf32>
    %sqrt3A = math.sqrt %add3A_44 : vector<512x1xf32>
    %div3A_45 = vector.broadcast %sqrt3A : vector<512x1xf32> to vector<512x768xf32>
    %div3A_46 = arith.divf %sub3A_41, %div3A_45 : vector<512x768xf32>
    %mul3A = vector.broadcast %get3A_16 : vector<1x768xf32> to vector<512x768xf32>
    %mul3A_47 = arith.mulf %div3A_46, %mul3A : vector<512x768xf32>
    %add3A_48 = vector.broadcast %get3A_19 : vector<1x768xf32> to vector<512x768xf32>
    %add3A_49 = arith.addf %mul3A_47, %add3A_48 : vector<512x768xf32>
    %swap3A = arith.constant 0 : index
    %swap3A_50 = arith.constant 0 : index
    %swap3A_51 = vector.load %arg8[%swap3A, %swap3A_50] : memref<512x768xf32, #tpu.memory_space<vmem>>, vector<512x768xf32>
    tpu.vector_store %arg8[%swap3A, %swap3A_50], %add3A_49 {strides = array<i32>} : memref<512x768xf32, #tpu.memory_space<vmem>>, vector<512x768xf32>,
    %get3A_52 = arith.constant 0 : index
    %get3A_53 = arith.constant 0 : index
    %get3A_54 = vector.load %arg7[%get3A_52, %get3A_53] : memref<768x8xf32, #tpu.memory_space<vmem>>, vector<768x8xf32>
    %dot_general3A_55 = arith.constant dense<0.000000e+00> : vector<512x8xf32>
    %dot_general3A_56 = tpu.matmul %add3A_49, %get3A_54, %dot_general3A_55 {dimension_numbers = #tpu.dot_dimension_numbers<[1], [0], [0], [1], [0, 0, 1, 1], [], []>, transpose_lhs_hint = false} : vector<512x768xf32>, vector<768x8xf32>, vector<512x8xf32> -> vector<512x8xf32>
    %mul3A_57 = arith.constant 512 : i32
    %mul3A_58 = arith.muli %arg0, %mul3A_57 : i32
    %swap3A_59 = arith.index_cast %mul3A_58 : i32 to index
    %swap3A_60 = arith.constant 0 : index
    %swap3A_61 = vector.load %arg14[%swap3A_59, %swap3A_60] : memref<2048x8xf32, #tpu.memory_space<vmem>>, vector<512x8xf32>
    tpu.vector_store %arg14[%swap3A_59, %swap3A_60], %dot_general3A_56 {strides = array<i32>} : memref<2048x8xf32, #tpu.memory_space<vmem>>, vector<512x8xf32>,
    %eq3A = arith.constant 3 : i32
    %eq3A_62 = arith.cmpi eq, %arg0, %eq3A : i32
    %convert_element_type3A_63 = arith.extui %eq3A_62 : i1 to i32
    %cond3A = arith.constant 0 : i32
    %cond3A_64 = arith.cmpi ne, %convert_element_type3A_63, %cond3A : i32
    scf.if %cond3A_64 {
      %get3A_65 = arith.constant 0 : index
      %get3A_66 = arith.constant 0 : index
      %get3A_67 = vector.load %arg14[%get3A_65, %get3A_66] : memref<2048x8xf32, #tpu.memory_space<vmem>>, vector<2048x8xf32>
      %reduce_max3A = arith.constant dense<0xFF800000> : vector<2048xf32>
      %reduce_max3A_68 = vector.multi_reduction <maximumf>, %get3A_67, %reduce_max3A [1] : vector<2048x8xf32> to vector<2048xf32>
      %broadcast_in_dim3A_69 = vector.shape_cast %reduce_max3A_68 : vector<2048xf32> to vector<2048x1xf32>
      %sub3A_70 = vector.broadcast %broadcast_in_dim3A_69 : vector<2048x1xf32> to vector<2048x8xf32>
      %sub3A_71 = arith.subf %get3A_67, %sub3A_70 : vector<2048x8xf32>
      %exp3A = math.exp %sub3A_71 : vector<2048x8xf32>
      %reduce_sum3A_72 = arith.constant dense<0.000000e+00> : vector<2048xf32>
      %reduce_sum3A_73 = vector.multi_reduction <add>, %exp3A, %reduce_sum3A_72 [1] : vector<2048x8xf32> to vector<2048xf32>
      %broadcast_in_dim3A_74 = vector.shape_cast %reduce_sum3A_73 : vector<2048xf32> to vector<2048x1xf32>
      %div3A_75 = vector.broadcast %broadcast_in_dim3A_74 : vector<2048x1xf32> to vector<2048x8xf32>
      %div3A_76 = arith.divf %exp3A, %div3A_75 : vector<2048x8xf32>
      %log3A = math.log %broadcast_in_dim3A_74 : vector<2048x1xf32>
      %add3A_77 = arith.addf %log3A, %broadcast_in_dim3A_69 : vector<2048x1xf32>
      %mul3A_78 = arith.mulf %add3A_77, %add3A_77 : vector<2048x1xf32>
      %reduce_sum3A_79 = vector.shape_cast %mul3A_78 : vector<2048x1xf32> to vector<1x2048x1xf32>
      %reduce_sum3A_80 = arith.constant dense<0.000000e+00> : vector<1xf32>
      %reduce_sum3A_81 = vector.multi_reduction <add>, %reduce_sum3A_79, %reduce_sum3A_80 [1, 2] : vector<1x2048x1xf32> to vector<1xf32>
      %reduce_sum3A_82 = vector.shape_cast %reduce_sum3A_81 : vector<1xf32> to vector<1x1x1xf32>
      %reduce_sum3A_83 = vector.extract %reduce_sum3A_82[0, 0, 0] : f32 from vector<1x1x1xf32>
      %div3A_84 = arith.constant 2.048000e+03 : f32
      %div3A_85 = arith.divf %reduce_sum3A_83, %div3A_84 : f32
      %mul3A_86 = arith.constant 1.000000e-03 : f32
      %mul3A_87 = arith.mulf %mul3A_86, %div3A_85 : f32
      %iota3A = tpu.iota {dimensions = array<i32: 1>} : vector<2048x8xi32>
      %reduce_max3A_88 = arith.constant dense<0xFF800000> : vector<2048xf32>
      %reduce_max3A_89 = vector.multi_reduction <maximumf>, %div3A_76, %reduce_max3A_88 [1] : vector<2048x8xf32> to vector<2048xf32>
      %broadcast_in_dim3A_90 = vector.shape_cast %reduce_max3A_89 : vector<2048xf32> to vector<2048x1xf32>
      %eq3A_91 = vector.broadcast %broadcast_in_dim3A_90 : vector<2048x1xf32> to vector<2048x8xf32>
      %eq3A_92 = arith.cmpf oeq, %div3A_76, %eq3A_91 : vector<2048x8xf32>
      %jit3A_93 = arith.constant 8 : i32
      %broadcast_in_dim3A_94 = vector.broadcast %jit3A_93 : i32 to vector<2048x8xi32>
      %select_n3A_95 = arith.select %eq3A_92, %iota3A, %broadcast_in_dim3A_94 : vector<2048x8xi1>, vector<2048x8xi32>
      %reduce_min3A = arith.constant dense<2147483647> : vector<2048xi32>
      %reduce_min3A_96 = vector.multi_reduction <minsi>, %select_n3A_95, %reduce_min3A [1] : vector<2048x8xi32> to vector<2048xi32>
      %broadcast_in_dim3A_97 = vector.shape_cast %reduce_min3A_96 : vector<2048xi32> to vector<2048x1xi32>
      %eq3A_98 = vector.broadcast %broadcast_in_dim3A_97 : vector<2048x1xi32> to vector<2048x8xi32>
      %eq3A_99 = arith.cmpi eq, %iota3A, %eq3A_98 : vector<2048x8xi32>
      %convert_element_type3A_100 = arith.extui %eq3A_99 : vector<2048x8xi1> to vector<2048x8xi32>
      %convert_element_type3A_101 = arith.sitofp %convert_element_type3A_100 : vector<2048x8xi32> to vector<2048x8xf32>
      %eq3A_102 = vector.broadcast %broadcast_in_dim3A_97 : vector<2048x1xi32> to vector<2048x8xi32>
      %eq3A_103 = arith.cmpi eq, %iota3A, %eq3A_102 : vector<2048x8xi32>
      %jit3A_104 = arith.constant -1.000000e+00 : f32
      %broadcast_in_dim3A_105 = vector.broadcast %jit3A_104 : f32 to vector<2048x8xf32>
      %select_n3A_106 = arith.select %eq3A_103, %broadcast_in_dim3A_105, %div3A_76 : vector<2048x8xi1>, vector<2048x8xf32>
      %reduce_max3A_107 = arith.constant dense<0xFF800000> : vector<2048xf32>
      %reduce_max3A_108 = vector.multi_reduction <maximumf>, %select_n3A_106, %reduce_max3A_107 [1] : vector<2048x8xf32> to vector<2048xf32>
      %broadcast_in_dim3A_109 = vector.shape_cast %reduce_max3A_108 : vector<2048xf32> to vector<2048x1xf32>
      %eq3A_110 = vector.broadcast %broadcast_in_dim3A_109 : vector<2048x1xf32> to vector<2048x8xf32>
      %eq3A_111 = arith.cmpf oeq, %select_n3A_106, %eq3A_110 : vector<2048x8xf32>
      %jit3A_112 = arith.constant 8 : i32
      %broadcast_in_dim3A_113 = vector.broadcast %jit3A_112 : i32 to vector<2048x8xi32>
      %select_n3A_114 = arith.select %eq3A_111, %iota3A, %broadcast_in_dim3A_113 : vector<2048x8xi1>, vector<2048x8xi32>
      %reduce_min3A_115 = arith.constant dense<2147483647> : vector<2048xi32>
      %reduce_min3A_116 = vector.multi_reduction <minsi>, %select_n3A_114, %reduce_min3A_115 [1] : vector<2048x8xi32> to vector<2048xi32>
      %broadcast_in_dim3A_117 = vector.shape_cast %reduce_min3A_116 : vector<2048xi32> to vector<2048x1xi32>
      %eq3A_118 = vector.broadcast %broadcast_in_dim3A_117 : vector<2048x1xi32> to vector<2048x8xi32>
      %eq3A_119 = arith.cmpi eq, %iota3A, %eq3A_118 : vector<2048x8xi32>
      %convert_element_type3A_120 = arith.extui %eq3A_119 : vector<2048x8xi1> to vector<2048x8xi32>
      %convert_element_type3A_121 = arith.sitofp %convert_element_type3A_120 : vector<2048x8xi32> to vector<2048x8xf32>
      %add3A_122 = arith.addf %broadcast_in_dim3A_90, %broadcast_in_dim3A_109 : vector<2048x1xf32>
      %add3A_123 = arith.constant 9.99999971E-10 : f32
      %add3A_124 = vector.broadcast %add3A_123 : f32 to vector<2048x1xf32>
      %add3A_125 = arith.addf %add3A_122, %add3A_124 : vector<2048x1xf32>
      %div3A_126 = arith.divf %broadcast_in_dim3A_90, %add3A_125 : vector<2048x1xf32>
      %div3A_127 = arith.divf %broadcast_in_dim3A_109, %add3A_125 : vector<2048x1xf32>
      %iota3A_128 = tpu.iota {dimensions = array<i32: 0>} : vector<256x256xi32>
      %iota3A_129 = tpu.iota {dimensions = array<i32: 1>} : vector<256x256xi32>
      %gt3A_130 = arith.cmpi sgt, %iota3A_128, %iota3A_129 : vector<256x256xi32>
      %convert_element_type3A_131 = arith.extui %gt3A_130 : vector<256x256xi1> to vector<256x256xi32>
      %convert_element_type3A_132 = arith.sitofp %convert_element_type3A_131 : vector<256x256xi32> to vector<256x256xf32>
      %broadcast_in_dim3A_133 = arith.constant 0.000000e+00 : f32
      %broadcast_in_dim3A_134 = vector.broadcast %broadcast_in_dim3A_133 : f32 to vector<1x8xf32>
      %slice3A = vector.extract_strided_slice %convert_element_type3A_101 {offsets = [0, 0], sizes = [256, 8], strides = [1, 1]} : vector<2048x8xf32> to vector<256x8xf32>
      %dot_general3A_135 = arith.constant dense<0.000000e+00> : vector<256x8xf32>
      %dot_general3A_136 = tpu.matmul %convert_element_type3A_132, %slice3A, %dot_general3A_135 {dimension_numbers = #tpu.dot_dimension_numbers<[1], [0], [0], [1], [0, 0, 1, 1], [], []>, transpose_lhs_hint = false} : vector<256x256xf32>, vector<256x8xf32>, vector<256x8xf32> -> vector<256x8xf32>
      %add3A_137 = vector.broadcast %broadcast_in_dim3A_134 : vector<1x8xf32> to vector<256x8xf32>
      %add3A_138 = arith.addf %dot_general3A_136, %add3A_137 : vector<256x8xf32>
      %reduce_sum3A_139 = arith.constant dense<0.000000e+00> : vector<8xf32>
      %reduce_sum3A_140 = vector.multi_reduction <add>, %slice3A, %reduce_sum3A_139 [0] : vector<256x8xf32> to vector<8xf32>
      %broadcast_in_dim3A_141 = vector.shape_cast %reduce_sum3A_140 : vector<8xf32> to vector<1x8xf32>
      %add3A_142 = arith.addf %broadcast_in_dim3A_134, %broadcast_in_dim3A_141 : vector<1x8xf32>
      %slice3A_143 = vector.extract_strided_slice %convert_element_type3A_101 {offsets = [256, 0], sizes = [256, 8], strides = [1, 1]} : vector<2048x8xf32> to vector<256x8xf32>
      %dot_general3A_144 = arith.constant dense<0.000000e+00> : vector<256x8xf32>
      %dot_general3A_145 = tpu.matmul %convert_element_type3A_132, %slice3A_143, %dot_general3A_144 {dimension_numbers = #tpu.dot_dimension_numbers<[1], [0], [0], [1], [0, 0, 1, 1], [], []>, transpose_lhs_hint = false} : vector<256x256xf32>, vector<256x8xf32>, vector<256x8xf32> -> vector<256x8xf32>
      %add3A_146 = vector.broadcast %add3A_142 : vector<1x8xf32> to vector<256x8xf32>
      %add3A_147 = arith.addf %dot_general3A_145, %add3A_146 : vector<256x8xf32>
      %reduce_sum3A_148 = arith.constant dense<0.000000e+00> : vector<8xf32>
      %reduce_sum3A_149 = vector.multi_reduction <add>, %slice3A_143, %reduce_sum3A_148 [0] : vector<256x8xf32> to vector<8xf32>
      %broadcast_in_dim3A_150 = vector.shape_cast %reduce_sum3A_149 : vector<8xf32> to vector<1x8xf32>
      %add3A_151 = arith.addf %add3A_142, %broadcast_in_dim3A_150 : vector<1x8xf32>
      %slice3A_152 = vector.extract_strided_slice %convert_element_type3A_101 {offsets = [512, 0], sizes = [256, 8], strides = [1, 1]} : vector<2048x8xf32> to vector<256x8xf32>
      %dot_general3A_153 = arith.constant dense<0.000000e+00> : vector<256x8xf32>
      %dot_general3A_154 = tpu.matmul %convert_element_type3A_132, %slice3A_152, %dot_general3A_153 {dimension_numbers = #tpu.dot_dimension_numbers<[1], [0], [0], [1], [0, 0, 1, 1], [], []>, transpose_lhs_hint = false} : vector<256x256xf32>, vector<256x8xf32>, vector<256x8xf32> -> vector<256x8xf32>
      %add3A_155 = vector.broadcast %add3A_151 : vector<1x8xf32> to vector<256x8xf32>
      %add3A_156 = arith.addf %dot_general3A_154, %add3A_155 : vector<256x8xf32>
      %reduce_sum3A_157 = arith.constant dense<0.000000e+00> : vector<8xf32>
      %reduce_sum3A_158 = vector.multi_reduction <add>, %slice3A_152, %reduce_sum3A_157 [0] : vector<256x8xf32> to vector<8xf32>
      %broadcast_in_dim3A_159 = vector.shape_cast %reduce_sum3A_158 : vector<8xf32> to vector<1x8xf32>
      %add3A_160 = arith.addf %add3A_151, %broadcast_in_dim3A_159 : vector<1x8xf32>
      %slice3A_161 = vector.extract_strided_slice %convert_element_type3A_101 {offsets = [768, 0], sizes = [256, 8], strides = [1, 1]} : vector<2048x8xf32> to vector<256x8xf32>
      %dot_general3A_162 = arith.constant dense<0.000000e+00> : vector<256x8xf32>
      %dot_general3A_163 = tpu.matmul %convert_element_type3A_132, %slice3A_161, %dot_general3A_162 {dimension_numbers = #tpu.dot_dimension_numbers<[1], [0], [0], [1], [0, 0, 1, 1], [], []>, transpose_lhs_hint = false} : vector<256x256xf32>, vector<256x8xf32>, vector<256x8xf32> -> vector<256x8xf32>
      %add3A_164 = vector.broadcast %add3A_160 : vector<1x8xf32> to vector<256x8xf32>
      %add3A_165 = arith.addf %dot_general3A_163, %add3A_164 : vector<256x8xf32>
      %reduce_sum3A_166 = arith.constant dense<0.000000e+00> : vector<8xf32>
      %reduce_sum3A_167 = vector.multi_reduction <add>, %slice3A_161, %reduce_sum3A_166 [0] : vector<256x8xf32> to vector<8xf32>
      %broadcast_in_dim3A_168 = vector.shape_cast %reduce_sum3A_167 : vector<8xf32> to vector<1x8xf32>
      %add3A_169 = arith.addf %add3A_160, %broadcast_in_dim3A_168 : vector<1x8xf32>
      %slice3A_170 = vector.extract_strided_slice %convert_element_type3A_101 {offsets = [1024, 0], sizes = [256, 8], strides = [1, 1]} : vector<2048x8xf32> to vector<256x8xf32>
      %dot_general3A_171 = arith.constant dense<0.000000e+00> : vector<256x8xf32>
      %dot_general3A_172 = tpu.matmul %convert_element_type3A_132, %slice3A_170, %dot_general3A_171 {dimension_numbers = #tpu.dot_dimension_numbers<[1], [0], [0], [1], [0, 0, 1, 1], [], []>, transpose_lhs_hint = false} : vector<256x256xf32>, vector<256x8xf32>, vector<256x8xf32> -> vector<256x8xf32>
      %add3A_173 = vector.broadcast %add3A_169 : vector<1x8xf32> to vector<256x8xf32>
      %add3A_174 = arith.addf %dot_general3A_172, %add3A_173 : vector<256x8xf32>
      %reduce_sum3A_175 = arith.constant dense<0.000000e+00> : vector<8xf32>
      %reduce_sum3A_176 = vector.multi_reduction <add>, %slice3A_170, %reduce_sum3A_175 [0] : vector<256x8xf32> to vector<8xf32>
      %broadcast_in_dim3A_177 = vector.shape_cast %reduce_sum3A_176 : vector<8xf32> to vector<1x8xf32>
      %add3A_178 = arith.addf %add3A_169, %broadcast_in_dim3A_177 : vector<1x8xf32>
      %slice3A_179 = vector.extract_strided_slice %convert_element_type3A_101 {offsets = [1280, 0], sizes = [256, 8], strides = [1, 1]} : vector<2048x8xf32> to vector<256x8xf32>
      %dot_general3A_180 = arith.constant dense<0.000000e+00> : vector<256x8xf32>
      %dot_general3A_181 = tpu.matmul %convert_element_type3A_132, %slice3A_179, %dot_general3A_180 {dimension_numbers = #tpu.dot_dimension_numbers<[1], [0], [0], [1], [0, 0, 1, 1], [], []>, transpose_lhs_hint = false} : vector<256x256xf32>, vector<256x8xf32>, vector<256x8xf32> -> vector<256x8xf32>
      %add3A_182 = vector.broadcast %add3A_178 : vector<1x8xf32> to vector<256x8xf32>
      %add3A_183 = arith.addf %dot_general3A_181, %add3A_182 : vector<256x8xf32>
      %reduce_sum3A_184 = arith.constant dense<0.000000e+00> : vector<8xf32>
      %reduce_sum3A_185 = vector.multi_reduction <add>, %slice3A_179, %reduce_sum3A_184 [0] : vector<256x8xf32> to vector<8xf32>
      %broadcast_in_dim3A_186 = vector.shape_cast %reduce_sum3A_185 : vector<8xf32> to vector<1x8xf32>
      %add3A_187 = arith.addf %add3A_178, %broadcast_in_dim3A_186 : vector<1x8xf32>
      %slice3A_188 = vector.extract_strided_slice %convert_element_type3A_101 {offsets = [1536, 0], sizes = [256, 8], strides = [1, 1]} : vector<2048x8xf32> to vector<256x8xf32>
      %dot_general3A_189 = arith.constant dense<0.000000e+00> : vector<256x8xf32>
      %dot_general3A_190 = tpu.matmul %convert_element_type3A_132, %slice3A_188, %dot_general3A_189 {dimension_numbers = #tpu.dot_dimension_numbers<[1], [0], [0], [1], [0, 0, 1, 1], [], []>, transpose_lhs_hint = false} : vector<256x256xf32>, vector<256x8xf32>, vector<256x8xf32> -> vector<256x8xf32>
      %add3A_191 = vector.broadcast %add3A_187 : vector<1x8xf32> to vector<256x8xf32>
      %add3A_192 = arith.addf %dot_general3A_190, %add3A_191 : vector<256x8xf32>
      %reduce_sum3A_193 = arith.constant dense<0.000000e+00> : vector<8xf32>
      %reduce_sum3A_194 = vector.multi_reduction <add>, %slice3A_188, %reduce_sum3A_193 [0] : vector<256x8xf32> to vector<8xf32>
      %broadcast_in_dim3A_195 = vector.shape_cast %reduce_sum3A_194 : vector<8xf32> to vector<1x8xf32>
      %add3A_196 = arith.addf %add3A_187, %broadcast_in_dim3A_195 : vector<1x8xf32>
      %slice3A_197 = vector.extract_strided_slice %convert_element_type3A_101 {offsets = [1792, 0], sizes = [256, 8], strides = [1, 1]} : vector<2048x8xf32> to vector<256x8xf32>
      %dot_general3A_198 = arith.constant dense<0.000000e+00> : vector<256x8xf32>
      %dot_general3A_199 = tpu.matmul %convert_element_type3A_132, %slice3A_197, %dot_general3A_198 {dimension_numbers = #tpu.dot_dimension_numbers<[1], [0], [0], [1], [0, 0, 1, 1], [], []>, transpose_lhs_hint = false} : vector<256x256xf32>, vector<256x8xf32>, vector<256x8xf32> -> vector<256x8xf32>
      %add3A_200 = vector.broadcast %add3A_196 : vector<1x8xf32> to vector<256x8xf32>
      %add3A_201 = arith.addf %dot_general3A_199, %add3A_200 : vector<256x8xf32>
      %reduce_sum3A_202 = arith.constant dense<0.000000e+00> : vector<8xf32>
      %reduce_sum3A_203 = vector.multi_reduction <add>, %slice3A_197, %reduce_sum3A_202 [0] : vector<256x8xf32> to vector<8xf32>
      %broadcast_in_dim3A_204 = vector.shape_cast %reduce_sum3A_203 : vector<8xf32> to vector<1x8xf32>
      %add3A_205 = arith.addf %add3A_196, %broadcast_in_dim3A_204 : vector<1x8xf32>
      %concatenate3A = tpu.concatenate %add3A_138, %add3A_147, %add3A_156, %add3A_165, %add3A_174, %add3A_183, %add3A_192, %add3A_201 in 0 : vector<256x8xf32>, vector<256x8xf32>, vector<256x8xf32>, vector<256x8xf32>, vector<256x8xf32>, vector<256x8xf32>, vector<256x8xf32>, vector<256x8xf32> -> vector<2048x8xf32>
      %iota3A_206 = tpu.iota {dimensions = array<i32: 0>} : vector<256x256xi32>
      %iota3A_207 = tpu.iota {dimensions = array<i32: 1>} : vector<256x256xi32>
      %gt3A_208 = arith.cmpi sgt, %iota3A_206, %iota3A_207 : vector<256x256xi32>
      %convert_element_type3A_209 = arith.extui %gt3A_208 : vector<256x256xi1> to vector<256x256xi32>
      %convert_element_type3A_210 = arith.sitofp %convert_element_type3A_209 : vector<256x256xi32> to vector<256x256xf32>
      %broadcast_in_dim3A_211 = arith.constant 0.000000e+00 : f32
      %broadcast_in_dim3A_212 = vector.broadcast %broadcast_in_dim3A_211 : f32 to vector<1x8xf32>
      %slice3A_213 = vector.extract_strided_slice %convert_element_type3A_121 {offsets = [0, 0], sizes = [256, 8], strides = [1, 1]} : vector<2048x8xf32> to vector<256x8xf32>
      %dot_general3A_214 = arith.constant dense<0.000000e+00> : vector<256x8xf32>
      %dot_general3A_215 = tpu.matmul %convert_element_type3A_210, %slice3A_213, %dot_general3A_214 {dimension_numbers = #tpu.dot_dimension_numbers<[1], [0], [0], [1], [0, 0, 1, 1], [], []>, transpose_lhs_hint = false} : vector<256x256xf32>, vector<256x8xf32>, vector<256x8xf32> -> vector<256x8xf32>
      %add3A_216 = vector.broadcast %broadcast_in_dim3A_212 : vector<1x8xf32> to vector<256x8xf32>
      %add3A_217 = arith.addf %dot_general3A_215, %add3A_216 : vector<256x8xf32>
      %reduce_sum3A_218 = arith.constant dense<0.000000e+00> : vector<8xf32>
      %reduce_sum3A_219 = vector.multi_reduction <add>, %slice3A_213, %reduce_sum3A_218 [0] : vector<256x8xf32> to vector<8xf32>
      %broadcast_in_dim3A_220 = vector.shape_cast %reduce_sum3A_219 : vector<8xf32> to vector<1x8xf32>
      %add3A_221 = arith.addf %broadcast_in_dim3A_212, %broadcast_in_dim3A_220 : vector<1x8xf32>
      %slice3A_222 = vector.extract_strided_slice %convert_element_type3A_121 {offsets = [256, 0], sizes = [256, 8], strides = [1, 1]} : vector<2048x8xf32> to vector<256x8xf32>
      %dot_general3A_223 = arith.constant dense<0.000000e+00> : vector<256x8xf32>
      %dot_general3A_224 = tpu.matmul %convert_element_type3A_210, %slice3A_222, %dot_general3A_223 {dimension_numbers = #tpu.dot_dimension_numbers<[1], [0], [0], [1], [0, 0, 1, 1], [], []>, transpose_lhs_hint = false} : vector<256x256xf32>, vector<256x8xf32>, vector<256x8xf32> -> vector<256x8xf32>
      %add3A_225 = vector.broadcast %add3A_221 : vector<1x8xf32> to vector<256x8xf32>
      %add3A_226 = arith.addf %dot_general3A_224, %add3A_225 : vector<256x8xf32>
      %reduce_sum3A_227 = arith.constant dense<0.000000e+00> : vector<8xf32>
      %reduce_sum3A_228 = vector.multi_reduction <add>, %slice3A_222, %reduce_sum3A_227 [0] : vector<256x8xf32> to vector<8xf32>
      %broadcast_in_dim3A_229 = vector.shape_cast %reduce_sum3A_228 : vector<8xf32> to vector<1x8xf32>
      %add3A_230 = arith.addf %add3A_221, %broadcast_in_dim3A_229 : vector<1x8xf32>
      %slice3A_231 = vector.extract_strided_slice %convert_element_type3A_121 {offsets = [512, 0], sizes = [256, 8], strides = [1, 1]} : vector<2048x8xf32> to vector<256x8xf32>
      %dot_general3A_232 = arith.constant dense<0.000000e+00> : vector<256x8xf32>
      %dot_general3A_233 = tpu.matmul %convert_element_type3A_210, %slice3A_231, %dot_general3A_232 {dimension_numbers = #tpu.dot_dimension_numbers<[1], [0], [0], [1], [0, 0, 1, 1], [], []>, transpose_lhs_hint = false} : vector<256x256xf32>, vector<256x8xf32>, vector<256x8xf32> -> vector<256x8xf32>
      %add3A_234 = vector.broadcast %add3A_230 : vector<1x8xf32> to vector<256x8xf32>
      %add3A_235 = arith.addf %dot_general3A_233, %add3A_234 : vector<256x8xf32>
      %reduce_sum3A_236 = arith.constant dense<0.000000e+00> : vector<8xf32>
      %reduce_sum3A_237 = vector.multi_reduction <add>, %slice3A_231, %reduce_sum3A_236 [0] : vector<256x8xf32> to vector<8xf32>
      %broadcast_in_dim3A_238 = vector.shape_cast %reduce_sum3A_237 : vector<8xf32> to vector<1x8xf32>
      %add3A_239 = arith.addf %add3A_230, %broadcast_in_dim3A_238 : vector<1x8xf32>
      %slice3A_240 = vector.extract_strided_slice %convert_element_type3A_121 {offsets = [768, 0], sizes = [256, 8], strides = [1, 1]} : vector<2048x8xf32> to vector<256x8xf32>
      %dot_general3A_241 = arith.constant dense<0.000000e+00> : vector<256x8xf32>
      %dot_general3A_242 = tpu.matmul %convert_element_type3A_210, %slice3A_240, %dot_general3A_241 {dimension_numbers = #tpu.dot_dimension_numbers<[1], [0], [0], [1], [0, 0, 1, 1], [], []>, transpose_lhs_hint = false} : vector<256x256xf32>, vector<256x8xf32>, vector<256x8xf32> -> vector<256x8xf32>
      %add3A_243 = vector.broadcast %add3A_239 : vector<1x8xf32> to vector<256x8xf32>
      %add3A_244 = arith.addf %dot_general3A_242, %add3A_243 : vector<256x8xf32>
      %reduce_sum3A_245 = arith.constant dense<0.000000e+00> : vector<8xf32>
      %reduce_sum3A_246 = vector.multi_reduction <add>, %slice3A_240, %reduce_sum3A_245 [0] : vector<256x8xf32> to vector<8xf32>
      %broadcast_in_dim3A_247 = vector.shape_cast %reduce_sum3A_246 : vector<8xf32> to vector<1x8xf32>
      %add3A_248 = arith.addf %add3A_239, %broadcast_in_dim3A_247 : vector<1x8xf32>
      %slice3A_249 = vector.extract_strided_slice %convert_element_type3A_121 {offsets = [1024, 0], sizes = [256, 8], strides = [1, 1]} : vector<2048x8xf32> to vector<256x8xf32>
      %dot_general3A_250 = arith.constant dense<0.000000e+00> : vector<256x8xf32>
      %dot_general3A_251 = tpu.matmul %convert_element_type3A_210, %slice3A_249, %dot_general3A_250 {dimension_numbers = #tpu.dot_dimension_numbers<[1], [0], [0], [1], [0, 0, 1, 1], [], []>, transpose_lhs_hint = false} : vector<256x256xf32>, vector<256x8xf32>, vector<256x8xf32> -> vector<256x8xf32>
      %add3A_252 = vector.broadcast %add3A_248 : vector<1x8xf32> to vector<256x8xf32>
      %add3A_253 = arith.addf %dot_general3A_251, %add3A_252 : vector<256x8xf32>
      %reduce_sum3A_254 = arith.constant dense<0.000000e+00> : vector<8xf32>
      %reduce_sum3A_255 = vector.multi_reduction <add>, %slice3A_249, %reduce_sum3A_254 [0] : vector<256x8xf32> to vector<8xf32>
      %broadcast_in_dim3A_256 = vector.shape_cast %reduce_sum3A_255 : vector<8xf32> to vector<1x8xf32>
      %add3A_257 = arith.addf %add3A_248, %broadcast_in_dim3A_256 : vector<1x8xf32>
      %slice3A_258 = vector.extract_strided_slice %convert_element_type3A_121 {offsets = [1280, 0], sizes = [256, 8], strides = [1, 1]} : vector<2048x8xf32> to vector<256x8xf32>
      %dot_general3A_259 = arith.constant dense<0.000000e+00> : vector<256x8xf32>
      %dot_general3A_260 = tpu.matmul %convert_element_type3A_210, %slice3A_258, %dot_general3A_259 {dimension_numbers = #tpu.dot_dimension_numbers<[1], [0], [0], [1], [0, 0, 1, 1], [], []>, transpose_lhs_hint = false} : vector<256x256xf32>, vector<256x8xf32>, vector<256x8xf32> -> vector<256x8xf32>
      %add3A_261 = vector.broadcast %add3A_257 : vector<1x8xf32> to vector<256x8xf32>
      %add3A_262 = arith.addf %dot_general3A_260, %add3A_261 : vector<256x8xf32>
      %reduce_sum3A_263 = arith.constant dense<0.000000e+00> : vector<8xf32>
      %reduce_sum3A_264 = vector.multi_reduction <add>, %slice3A_258, %reduce_sum3A_263 [0] : vector<256x8xf32> to vector<8xf32>
      %broadcast_in_dim3A_265 = vector.shape_cast %reduce_sum3A_264 : vector<8xf32> to vector<1x8xf32>
      %add3A_266 = arith.addf %add3A_257, %broadcast_in_dim3A_265 : vector<1x8xf32>
      %slice3A_267 = vector.extract_strided_slice %convert_element_type3A_121 {offsets = [1536, 0], sizes = [256, 8], strides = [1, 1]} : vector<2048x8xf32> to vector<256x8xf32>
      %dot_general3A_268 = arith.constant dense<0.000000e+00> : vector<256x8xf32>
      %dot_general3A_269 = tpu.matmul %convert_element_type3A_210, %slice3A_267, %dot_general3A_268 {dimension_numbers = #tpu.dot_dimension_numbers<[1], [0], [0], [1], [0, 0, 1, 1], [], []>, transpose_lhs_hint = false} : vector<256x256xf32>, vector<256x8xf32>, vector<256x8xf32> -> vector<256x8xf32>
      %add3A_270 = vector.broadcast %add3A_266 : vector<1x8xf32> to vector<256x8xf32>
      %add3A_271 = arith.addf %dot_general3A_269, %add3A_270 : vector<256x8xf32>
      %reduce_sum3A_272 = arith.constant dense<0.000000e+00> : vector<8xf32>
      %reduce_sum3A_273 = vector.multi_reduction <add>, %slice3A_267, %reduce_sum3A_272 [0] : vector<256x8xf32> to vector<8xf32>
      %broadcast_in_dim3A_274 = vector.shape_cast %reduce_sum3A_273 : vector<8xf32> to vector<1x8xf32>
      %add3A_275 = arith.addf %add3A_266, %broadcast_in_dim3A_274 : vector<1x8xf32>
      %slice3A_276 = vector.extract_strided_slice %convert_element_type3A_121 {offsets = [1792, 0], sizes = [256, 8], strides = [1, 1]} : vector<2048x8xf32> to vector<256x8xf32>
      %dot_general3A_277 = arith.constant dense<0.000000e+00> : vector<256x8xf32>
      %dot_general3A_278 = tpu.matmul %convert_element_type3A_210, %slice3A_276, %dot_general3A_277 {dimension_numbers = #tpu.dot_dimension_numbers<[1], [0], [0], [1], [0, 0, 1, 1], [], []>, transpose_lhs_hint = false} : vector<256x256xf32>, vector<256x8xf32>, vector<256x8xf32> -> vector<256x8xf32>
      %add3A_279 = vector.broadcast %add3A_275 : vector<1x8xf32> to vector<256x8xf32>
      %add3A_280 = arith.addf %dot_general3A_278, %add3A_279 : vector<256x8xf32>
      %concatenate3A_281 = tpu.concatenate %add3A_217, %add3A_226, %add3A_235, %add3A_244, %add3A_253, %add3A_262, %add3A_271, %add3A_280 in 0 : vector<256x8xf32>, vector<256x8xf32>, vector<256x8xf32>, vector<256x8xf32>, vector<256x8xf32>, vector<256x8xf32>, vector<256x8xf32>, vector<256x8xf32> -> vector<2048x8xf32>
      %mul3A_282 = arith.mulf %concatenate3A, %convert_element_type3A_101 : vector<2048x8xf32>
      %reduce_sum3A_283 = arith.constant dense<0.000000e+00> : vector<2048xf32>
      %reduce_sum3A_284 = vector.multi_reduction <add>, %mul3A_282, %reduce_sum3A_283 [1] : vector<2048x8xf32> to vector<2048xf32>
      %broadcast_in_dim3A_285 = vector.shape_cast %reduce_sum3A_284 : vector<2048xf32> to vector<2048x1xf32>
      %add3A_286 = vector.broadcast %add3A_205 : vector<1x8xf32> to vector<2048x8xf32>
      %add3A_287 = arith.addf %concatenate3A_281, %add3A_286 : vector<2048x8xf32>
      %mul3A_288 = arith.mulf %add3A_287, %convert_element_type3A_121 : vector<2048x8xf32>
      %reduce_sum3A_289 = arith.constant dense<0.000000e+00> : vector<2048xf32>
      %reduce_sum3A_290 = vector.multi_reduction <add>, %mul3A_288, %reduce_sum3A_289 [1] : vector<2048x8xf32> to vector<2048xf32>
      %broadcast_in_dim3A_291 = vector.shape_cast %reduce_sum3A_290 : vector<2048xf32> to vector<2048x1xf32>
      %lt3A = arith.constant 6.400000e+02 : f32
      %lt3A_292 = vector.broadcast %lt3A : f32 to vector<2048x1xf32>
      %lt3A_293 = arith.cmpf olt, %broadcast_in_dim3A_285, %lt3A_292 : vector<2048x1xf32>
      %convert_element_type3A_294 = arith.extui %lt3A_293 : vector<2048x1xi1> to vector<2048x1xi32>
      %convert_element_type3A_295 = arith.sitofp %convert_element_type3A_294 : vector<2048x1xi32> to vector<2048x1xf32>
      %lt3A_296 = arith.constant 6.400000e+02 : f32
      %lt3A_297 = vector.broadcast %lt3A_296 : f32 to vector<2048x1xf32>
      %lt3A_298 = arith.cmpf olt, %broadcast_in_dim3A_291, %lt3A_297 : vector<2048x1xf32>
      %convert_element_type3A_299 = arith.extui %lt3A_298 : vector<2048x1xi1> to vector<2048x1xi32>
      %convert_element_type3A_300 = arith.sitofp %convert_element_type3A_299 : vector<2048x1xi32> to vector<2048x1xf32>
      %sub3A_301 = arith.constant 6.400000e+02 : f32
      %sub3A_302 = arith.constant 1.000000e+00 : f32
      %sub3A_303 = arith.subf %sub3A_301, %sub3A_302 : f32
      %min3A = vector.broadcast %sub3A_303 : f32 to vector<2048x1xf32>
      %min3A_304 = arith.minimumf %broadcast_in_dim3A_285, %min3A : vector<2048x1xf32>
      %convert_element_type3A_305 = arith.fptosi %min3A_304 : vector<2048x1xf32> to vector<2048x1xi32>
      %sub3A_306 = arith.constant 6.400000e+02 : f32
      %sub3A_307 = arith.constant 1.000000e+00 : f32
      %sub3A_308 = arith.subf %sub3A_306, %sub3A_307 : f32
      %min3A_309 = vector.broadcast %sub3A_308 : f32 to vector<2048x1xf32>
      %min3A_310 = arith.minimumf %broadcast_in_dim3A_291, %min3A_309 : vector<2048x1xf32>
      %convert_element_type3A_311 = arith.fptosi %min3A_310 : vector<2048x1xf32> to vector<2048x1xi32>
      %iota3A_312 = tpu.iota {dimensions = array<i32: 0>} : vector<2048x1xi32>
      %jit3A_313 = arith.constant 64 : i32
      %div3A_314 = vector.broadcast %jit3A_313 : i32 to vector<2048x1xi32>
      %div3A_315 = arith.divsi %iota3A_312, %div3A_314 : vector<2048x1xi32>
      %sign3A = arith.constant 0 : i32
      %sign3A_316 = vector.broadcast %sign3A : i32 to vector<2048x1xi32>
      %sign3A_317 = arith.cmpi sgt, %iota3A_312, %sign3A_316 : vector<2048x1xi32>
      %sign3A_318 = arith.extui %sign3A_317 : vector<2048x1xi1> to vector<2048x1xi32>
      %sign3A_319 = arith.constant 0 : i32
      %sign3A_320 = vector.broadcast %sign3A_319 : i32 to vector<2048x1xi32>
      %sign3A_321 = arith.cmpi slt, %iota3A_312, %sign3A_320 : vector<2048x1xi32>
      %sign3A_322 = arith.extui %sign3A_321 : vector<2048x1xi1> to vector<2048x1xi32>
      %sign3A_323 = arith.subi %sign3A_318, %sign3A_322 : vector<2048x1xi32>
      %sign3A_324 = arith.constant 0 : i32
      %sign3A_325 = arith.cmpi sgt, %jit3A_313, %sign3A_324 : i32
      %sign3A_326 = arith.extui %sign3A_325 : i1 to i32
      %sign3A_327 = arith.constant 0 : i32
      %sign3A_328 = arith.cmpi slt, %jit3A_313, %sign3A_327 : i32
      %sign3A_329 = arith.extui %sign3A_328 : i1 to i32
      %sign3A_330 = arith.subi %sign3A_326, %sign3A_329 : i32
      %ne3A = vector.broadcast %sign3A_330 : i32 to vector<2048x1xi32>
      %ne3A_331 = arith.cmpi ne, %sign3A_323, %ne3A : vector<2048x1xi32>
      %rem3A = vector.broadcast %jit3A_313 : i32 to vector<2048x1xi32>
      %rem3A_332 = arith.remsi %iota3A_312, %rem3A : vector<2048x1xi32>
      %ne3A_333 = arith.constant 0 : i32
      %ne3A_334 = vector.broadcast %ne3A_333 : i32 to vector<2048x1xi32>
      %ne3A_335 = arith.cmpi ne, %rem3A_332, %ne3A_334 : vector<2048x1xi32>
      %and3A = arith.andi %ne3A_331, %ne3A_335 : vector<2048x1xi1>
      %sub3A_336 = arith.constant 1 : i32
      %sub3A_337 = vector.broadcast %sub3A_336 : i32 to vector<2048x1xi32>
      %sub3A_338 = arith.subi %div3A_315, %sub3A_337 : vector<2048x1xi32>
      %select_n3A_339 = arith.select %and3A, %sub3A_338, %div3A_315 : vector<2048x1xi1>, vector<2048x1xi32>
      %add3A_340 = arith.constant 5120 : i32
      %add3A_341 = vector.broadcast %add3A_340 : i32 to vector<2048x1xi32>
      %add3A_342 = arith.addi %add3A_341, %select_n3A_339 : vector<2048x1xi32>
      %gt3A_343 = arith.constant 0.000000e+00 : f32
      %gt3A_344 = vector.broadcast %gt3A_343 : f32 to vector<2048x1xf32>
      %gt3A_345 = arith.cmpf ogt, %convert_element_type3A_295, %gt3A_344 : vector<2048x1xf32>
      %mul3A_346 = arith.constant 640 : i32
      %mul3A_347 = vector.broadcast %mul3A_346 : i32 to vector<2048x1xi32>
      %mul3A_348 = arith.muli %broadcast_in_dim3A_97, %mul3A_347 : vector<2048x1xi32>
      %add3A_349 = arith.addi %mul3A_348, %convert_element_type3A_305 : vector<2048x1xi32>
      %select_n3A_350 = arith.select %gt3A_345, %add3A_349, %add3A_342 : vector<2048x1xi1>, vector<2048x1xi32>
      %gt3A_351 = arith.constant 0.000000e+00 : f32
      %gt3A_352 = vector.broadcast %gt3A_351 : f32 to vector<2048x1xf32>
      %gt3A_353 = arith.cmpf ogt, %convert_element_type3A_300, %gt3A_352 : vector<2048x1xf32>
      %mul3A_354 = arith.constant 640 : i32
      %mul3A_355 = vector.broadcast %mul3A_354 : i32 to vector<2048x1xi32>
      %mul3A_356 = arith.muli %broadcast_in_dim3A_117, %mul3A_355 : vector<2048x1xi32>
      %add3A_357 = arith.addi %mul3A_356, %convert_element_type3A_311 : vector<2048x1xi32>
      %select_n3A_358 = arith.select %gt3A_353, %add3A_357, %add3A_342 : vector<2048x1xi1>, vector<2048x1xi32>
      %mul3A_359 = arith.constant 640 : i32
      %mul3A_360 = vector.broadcast %mul3A_359 : i32 to vector<2048x1xi32>
      %mul3A_361 = arith.muli %broadcast_in_dim3A_97, %mul3A_360 : vector<2048x1xi32>
      %add3A_362 = arith.addi %mul3A_361, %convert_element_type3A_305 : vector<2048x1xi32>
      %mul3A_363 = arith.constant 640 : i32
      %mul3A_364 = vector.broadcast %mul3A_363 : i32 to vector<2048x1xi32>
      %mul3A_365 = arith.muli %broadcast_in_dim3A_117, %mul3A_364 : vector<2048x1xi32>
      %add3A_366 = arith.addi %mul3A_365, %convert_element_type3A_311 : vector<2048x1xi32>
      %swap3A_367 = arith.constant 0 : index
      %swap3A_368 = arith.constant 0 : index
      %swap3A_369 = vector.load %arg9[%swap3A_367, %swap3A_368] : memref<2048x1xi32, #tpu.memory_space<vmem>>, vector<2048x1xi32>
      tpu.vector_store %arg9[%swap3A_367, %swap3A_368], %select_n3A_350 {strides = array<i32>} : memref<2048x1xi32, #tpu.memory_space<vmem>>, vector<2048x1xi32>,
      %swap3A_370 = arith.constant 0 : index
      %swap3A_371 = arith.constant 0 : index
      %swap3A_372 = vector.load %arg10[%swap3A_370, %swap3A_371] : memref<2048x1xi32, #tpu.memory_space<vmem>>, vector<2048x1xi32>
      tpu.vector_store %arg10[%swap3A_370, %swap3A_371], %select_n3A_358 {strides = array<i32>} : memref<2048x1xi32, #tpu.memory_space<vmem>>, vector<2048x1xi32>,
      %iota3A_373 = tpu.iota {dimensions = array<i32: 1>} : vector<2048x2xi32>
      %eq3A_374 = arith.constant 0 : i32
      %eq3A_375 = vector.broadcast %eq3A_374 : i32 to vector<2048x2xi32>
      %eq3A_376 = arith.cmpi eq, %iota3A_373, %eq3A_375 : vector<2048x2xi32>
      %broadcast_in_dim3A_377 = vector.shape_cast %add3A_362 : vector<2048x1xi32> to vector<2048x1xi32>
      %broadcast_in_dim3A_378 = vector.broadcast %broadcast_in_dim3A_377 : vector<2048x1xi32> to vector<2048x2xi32>
      %broadcast_in_dim3A_379 = vector.shape_cast %add3A_366 : vector<2048x1xi32> to vector<2048x1xi32>
      %broadcast_in_dim3A_380 = vector.broadcast %broadcast_in_dim3A_379 : vector<2048x1xi32> to vector<2048x2xi32>
      %select_n3A_381 = arith.select %eq3A_376, %broadcast_in_dim3A_378, %broadcast_in_dim3A_380 : vector<2048x2xi1>, vector<2048x2xi32>
      %swap3A_382 = arith.constant 0 : index
      %swap3A_383 = arith.constant 0 : index
      %swap3A_384 = vector.load %arg11[%swap3A_382, %swap3A_383] : memref<2048x2xi32, #tpu.memory_space<vmem>>, vector<2048x2xi32>
      tpu.vector_store %arg11[%swap3A_382, %swap3A_383], %select_n3A_381 {strides = array<i32>} : memref<2048x2xi32, #tpu.memory_space<vmem>>, vector<2048x2xi32>,
      %iota3A_385 = tpu.iota {dimensions = array<i32: 1>} : vector<2048x8xi32>
      %eq3A_386 = arith.constant 0 : i32
      %eq3A_387 = vector.broadcast %eq3A_386 : i32 to vector<2048x8xi32>
      %eq3A_388 = arith.cmpi eq, %iota3A_385, %eq3A_387 : vector<2048x8xi32>
      %mul3A_389 = arith.mulf %div3A_126, %convert_element_type3A_295 : vector<2048x1xf32>
      %eq3A_390 = arith.constant 1 : i32
      %eq3A_391 = vector.broadcast %eq3A_390 : i32 to vector<2048x8xi32>
      %eq3A_392 = arith.cmpi eq, %iota3A_385, %eq3A_391 : vector<2048x8xi32>
      %mul3A_393 = arith.mulf %div3A_127, %convert_element_type3A_300 : vector<2048x1xf32>
      %jit3A_394 = arith.constant 0.000000e+00 : f32
      %broadcast_in_dim3A_395 = vector.shape_cast %mul3A_393 : vector<2048x1xf32> to vector<2048x1xf32>
      %broadcast_in_dim3A_396 = vector.broadcast %broadcast_in_dim3A_395 : vector<2048x1xf32> to vector<2048x8xf32>
      %broadcast_in_dim3A_397 = vector.broadcast %jit3A_394 : f32 to vector<2048x8xf32>
      %select_n3A_398 = arith.select %eq3A_392, %broadcast_in_dim3A_396, %broadcast_in_dim3A_397 : vector<2048x8xi1>, vector<2048x8xf32>
      %broadcast_in_dim3A_399 = vector.shape_cast %mul3A_389 : vector<2048x1xf32> to vector<2048x1xf32>
      %broadcast_in_dim3A_400 = vector.broadcast %broadcast_in_dim3A_399 : vector<2048x1xf32> to vector<2048x8xf32>
      %select_n3A_401 = arith.select %eq3A_388, %broadcast_in_dim3A_400, %select_n3A_398 : vector<2048x8xi1>, vector<2048x8xf32>
      %eq3A_402 = arith.constant 2 : i32
      %eq3A_403 = vector.broadcast %eq3A_402 : i32 to vector<2048x8xi32>
      %eq3A_404 = arith.cmpi eq, %iota3A_385, %eq3A_403 : vector<2048x8xi32>
      %eq3A_405 = arith.constant 3 : i32
      %eq3A_406 = vector.broadcast %eq3A_405 : i32 to vector<2048x8xi32>
      %eq3A_407 = arith.cmpi eq, %iota3A_385, %eq3A_406 : vector<2048x8xi32>
      %broadcast_in_dim3A_408 = vector.shape_cast %convert_element_type3A_300 : vector<2048x1xf32> to vector<2048x1xf32>
      %broadcast_in_dim3A_409 = vector.broadcast %broadcast_in_dim3A_408 : vector<2048x1xf32> to vector<2048x8xf32>
      %select_n3A_410 = arith.select %eq3A_407, %broadcast_in_dim3A_409, %select_n3A_401 : vector<2048x8xi1>, vector<2048x8xf32>
      %broadcast_in_dim3A_411 = vector.shape_cast %convert_element_type3A_295 : vector<2048x1xf32> to vector<2048x1xf32>
      %broadcast_in_dim3A_412 = vector.broadcast %broadcast_in_dim3A_411 : vector<2048x1xf32> to vector<2048x8xf32>
      %select_n3A_413 = arith.select %eq3A_404, %broadcast_in_dim3A_412, %select_n3A_410 : vector<2048x8xi1>, vector<2048x8xf32>
      %swap3A_414 = arith.constant 0 : index
      %swap3A_415 = arith.constant 0 : index
      %swap3A_416 = vector.load %arg12[%swap3A_414, %swap3A_415] : memref<2048x8xf32, #tpu.memory_space<vmem>>, vector<2048x8xf32>
      tpu.vector_store %arg12[%swap3A_414, %swap3A_415], %select_n3A_413 {strides = array<i32>} : memref<2048x8xf32, #tpu.memory_space<vmem>>, vector<2048x8xf32>,
      %reduce_sum3A_417 = arith.constant dense<0.000000e+00> : vector<8xf32>
      %reduce_sum3A_418 = vector.multi_reduction <add>, %div3A_76, %reduce_sum3A_417 [0] : vector<2048x8xf32> to vector<8xf32>
      %broadcast_in_dim3A_419 = vector.shape_cast %reduce_sum3A_418 : vector<8xf32> to vector<1x8xf32>
      %div3A_420 = arith.constant 2.048000e+03 : f32
      %div3A_421 = vector.broadcast %div3A_420 : f32 to vector<1x8xf32>
      %div3A_422 = arith.divf %broadcast_in_dim3A_419, %div3A_421 : vector<1x8xf32>
      %reduce_sum3A_423 = arith.constant dense<0.000000e+00> : vector<8xf32>
      %reduce_sum3A_424 = vector.multi_reduction <add>, %convert_element_type3A_121, %reduce_sum3A_423 [0] : vector<2048x8xf32> to vector<8xf32>
      %broadcast_in_dim3A_425 = vector.shape_cast %reduce_sum3A_424 : vector<8xf32> to vector<1x8xf32>
      %add3A_426 = arith.addf %add3A_205, %broadcast_in_dim3A_425 : vector<1x8xf32>
      %div3A_427 = arith.constant 4.096000e+03 : f32
      %div3A_428 = vector.broadcast %div3A_427 : f32 to vector<1x8xf32>
      %div3A_429 = arith.divf %add3A_426, %div3A_428 : vector<1x8xf32>
      %mul3A_430 = arith.mulf %div3A_422, %div3A_429 : vector<1x8xf32>
      %reduce_sum3A_431 = vector.shape_cast %mul3A_430 : vector<1x8xf32> to vector<1x1x8xf32>
      %reduce_sum3A_432 = arith.constant dense<0.000000e+00> : vector<1xf32>
      %reduce_sum3A_433 = vector.multi_reduction <add>, %reduce_sum3A_431, %reduce_sum3A_432 [1, 2] : vector<1x1x8xf32> to vector<1xf32>
      %reduce_sum3A_434 = vector.shape_cast %reduce_sum3A_433 : vector<1xf32> to vector<1x1x1xf32>
      %reduce_sum3A_435 = vector.extract %reduce_sum3A_434[0, 0, 0] : f32 from vector<1x1x1xf32>
      %broadcast_in_dim3A_436 = vector.broadcast %reduce_sum3A_435 : f32 to vector<1x1xf32>
      %mul3A_437 = arith.constant 8.000000e-02 : f32
      %mul3A_438 = vector.broadcast %mul3A_437 : f32 to vector<1x1xf32>
      %mul3A_439 = arith.mulf %mul3A_438, %broadcast_in_dim3A_436 : vector<1x1xf32>
      %iota3A_440 = tpu.iota {dimensions = array<i32: 0>} : vector<8x128xi32>
      %iota3A_441 = tpu.iota {dimensions = array<i32: 1>} : vector<8x128xi32>
      %eq3A_442 = arith.constant 0 : i32
      %eq3A_443 = vector.broadcast %eq3A_442 : i32 to vector<8x128xi32>
      %eq3A_444 = arith.cmpi eq, %iota3A_440, %eq3A_443 : vector<8x128xi32>
      %eq3A_445 = arith.constant 0 : i32
      %eq3A_446 = vector.broadcast %eq3A_445 : i32 to vector<8x128xi32>
      %eq3A_447 = arith.cmpi eq, %iota3A_441, %eq3A_446 : vector<8x128xi32>
      %and3A_448 = arith.andi %eq3A_444, %eq3A_447 : vector<8x128xi1>
      %jit3A_449 = arith.constant 0.000000e+00 : f32
      %broadcast_in_dim3A_450 = vector.shape_cast %mul3A_439 : vector<1x1xf32> to vector<1x1xf32>
      %broadcast_in_dim3A_451 = vector.broadcast %broadcast_in_dim3A_450 : vector<1x1xf32> to vector<8x128xf32>
      %broadcast_in_dim3A_452 = vector.broadcast %jit3A_449 : f32 to vector<8x128xf32>
      %select_n3A_453 = arith.select %and3A_448, %broadcast_in_dim3A_451, %broadcast_in_dim3A_452 : vector<8x128xi1>, vector<8x128xf32>
      %eq3A_454 = arith.constant 0 : i32
      %eq3A_455 = vector.broadcast %eq3A_454 : i32 to vector<8x128xi32>
      %eq3A_456 = arith.cmpi eq, %iota3A_440, %eq3A_455 : vector<8x128xi32>
      %eq3A_457 = arith.constant 1 : i32
      %eq3A_458 = vector.broadcast %eq3A_457 : i32 to vector<8x128xi32>
      %eq3A_459 = arith.cmpi eq, %iota3A_441, %eq3A_458 : vector<8x128xi32>
      %and3A_460 = arith.andi %eq3A_456, %eq3A_459 : vector<8x128xi1>
      %broadcast_in_dim3A_461 = vector.broadcast %mul3A_87 : f32 to vector<8x128xf32>
      %select_n3A_462 = arith.select %and3A_460, %broadcast_in_dim3A_461, %select_n3A_453 : vector<8x128xi1>, vector<8x128xf32>
      %swap3A_463 = arith.constant 0 : index
      %swap3A_464 = arith.constant 0 : index
      %swap3A_465 = vector.load %arg13[%swap3A_463, %swap3A_464] : memref<8x128xf32, #tpu.memory_space<vmem>>, vector<8x128xf32>
      tpu.vector_store %arg13[%swap3A_463, %swap3A_464], %select_n3A_462 {strides = array<i32>} : memref<8x128xf32, #tpu.memory_space<vmem>>, vector<8x128xf32>,
    } else {
    }
    return
  }
  func.func @transform_0(%arg0: i32) -> (i32, i32) {
    %c0_i32 = arith.constant 0 : i32
    %c0_i32_0 = arith.constant 0 : i32
    return %arg0, %c0_i32 : i32, i32
  }
  func.func @transform_1(%arg0: i32) -> (i32, i32) {
    %c0_i32 = arith.constant 0 : i32
    %c0_i32_0 = arith.constant 0 : i32
    %c0_i32_1 = arith.constant 0 : i32
    return %c0_i32, %c0_i32_0 : i32, i32
  }
  func.func @transform_2(%arg0: i32) -> (i32, i32) {
    %c0_i32 = arith.constant 0 : i32
    %c0_i32_0 = arith.constant 0 : i32
    %c0_i32_1 = arith.constant 0 : i32
    return %c0_i32, %c0_i32_0 : i32, i32
  }
  func.func @transform_3(%arg0: i32) -> (i32, i32) {
    %c0_i32 = arith.constant 0 : i32
    %c0_i32_0 = arith.constant 0 : i32
    return %arg0, %c0_i32 : i32, i32
  }
  func.func @transform_4(%arg0: i32) -> (i32, i32) {
    %c0_i32 = arith.constant 0 : i32
    %c0_i32_0 = arith.constant 0 : i32
    %c0_i32_1 = arith.constant 0 : i32
    return %c0_i32, %c0_i32_0 : i32, i32
  }
  func.func @transform_5(%arg0: i32) -> (i32, i32) {
    %c0_i32 = arith.constant 0 : i32
    %c0_i32_0 = arith.constant 0 : i32
    %c0_i32_1 = arith.constant 0 : i32
    return %c0_i32, %c0_i32_0 : i32, i32
  }
  func.func @transform_6(%arg0: i32) -> (i32, i32) {
    %c0_i32 = arith.constant 0 : i32
    %c0_i32_0 = arith.constant 0 : i32
    %c0_i32_1 = arith.constant 0 : i32
    return %c0_i32, %c0_i32_0 : i32, i32
  }
  func.func @transform_7(%arg0: i32) -> (i32, i32) {
    %c0_i32 = arith.constant 0 : i32
    %c0_i32_0 = arith.constant 0 : i32
    return %arg0, %c0_i32 : i32, i32
  }
  func.func @transform_8(%arg0: i32) -> (i32, i32) {
    %c0_i32 = arith.constant 0 : i32
    %c0_i32_0 = arith.constant 0 : i32
    %c0_i32_1 = arith.constant 0 : i32
    return %c0_i32, %c0_i32_0 : i32, i32
  }
  func.func @transform_9(%arg0: i32) -> (i32, i32) {
    %c0_i32 = arith.constant 0 : i32
    %c0_i32_0 = arith.constant 0 : i32
    %c0_i32_1 = arith.constant 0 : i32
    return %c0_i32, %c0_i32_0 : i32, i32
  }
  func.func @transform_10(%arg0: i32) -> (i32, i32) {
    %c0_i32 = arith.constant 0 : i32
    %c0_i32_0 = arith.constant 0 : i32
    %c0_i32_1 = arith.constant 0 : i32
    return %c0_i32, %c0_i32_0 : i32, i32
  }
  func.func @transform_11(%arg0: i32) -> (i32, i32) {
    %c0_i32 = arith.constant 0 : i32
    %c0_i32_0 = arith.constant 0 : i32
    %c0_i32_1 = arith.constant 0 : i32
    return %c0_i32, %c0_i32_0 : i32, i32
  }
  func.func @transform_12(%arg0: i32) -> (i32, i32) {
    %c0_i32 = arith.constant 0 : i32
    %c0_i32_0 = arith.constant 0 : i32
    %c0_i32_1 = arith.constant 0 : i32
    return %c0_i32, %c0_i32_0 : i32, i32
  }
}

module attributes {stable_mosaic.version = 14 : i64} {
  func.func @_attn_body(%arg0: i32, %arg1: i32, %arg2: memref<2048x128xf32, #tpu.memory_space<vmem>>, %arg3: memref<2048x128xf32, #tpu.memory_space<vmem>>, %arg4: memref<2048x128xf32, #tpu.memory_space<vmem>>, %arg5: memref<2048x128xf32, #tpu.memory_space<vmem>>) attributes {dimension_semantics = [#tpu.dimension_semantics<arbitrary>, #tpu.dimension_semantics<arbitrary>], iteration_bounds = array<i64: 6, 1>, scalar_prefetch = 0 : i64, scratch_operands = 0 : i64, tpu.core_type = #tpu.core_type<tc>, window_params = [{transform_indices = @transform_0, window_bounds = array<i64: 2048, 128>}, {transform_indices = @transform_1, window_bounds = array<i64: 2048, 128>}, {transform_indices = @transform_2, window_bounds = array<i64: 2048, 128>}, {transform_indices = @transform_3, window_bounds = array<i64: 2048, 128>}]} {
    %get3A = arith.constant 0 : index
    %get3A_0 = arith.constant 0 : index
    %get3A_1 = vector.load %arg2[%get3A, %get3A_0] : memref<2048x128xf32, #tpu.memory_space<vmem>>, vector<2048x128xf32>
    %mul3A = arith.constant 1.250000e-01 : f32
    %mul3A_2 = vector.broadcast %mul3A : f32 to vector<2048x128xf32>
    %mul3A_3 = arith.mulf %get3A_1, %mul3A_2 : vector<2048x128xf32>
    %get3A_4 = arith.constant 0 : index
    %get3A_5 = arith.constant 0 : index
    %get3A_6 = vector.load %arg3[%get3A_4, %get3A_5] : memref<2048x128xf32, #tpu.memory_space<vmem>>, vector<2048x128xf32>
    %get3A_7 = arith.constant 0 : index
    %get3A_8 = arith.constant 0 : index
    %get3A_9 = vector.load %arg4[%get3A_7, %get3A_8] : memref<2048x128xf32, #tpu.memory_space<vmem>>, vector<2048x128xf32>
    %iota3A = tpu.iota {dimensions = array<i32: 1>} : vector<2048x64xi32>
    %eq3A = arith.constant 0 : i32
    %eq3A_10 = vector.broadcast %eq3A : i32 to vector<2048x64xi32>
    %eq3A_11 = arith.cmpi eq, %iota3A, %eq3A_10 : vector<2048x64xi32>
    %jit3A = arith.constant 1.000000e+00 : f32
    %jit3A_12 = arith.constant 0.000000e+00 : f32
    %broadcast_in_dim3A = vector.broadcast %jit3A : f32 to vector<2048x64xf32>
    %broadcast_in_dim3A_13 = vector.broadcast %jit3A_12 : f32 to vector<2048x64xf32>
    %select_n3A = arith.select %eq3A_11, %broadcast_in_dim3A, %broadcast_in_dim3A_13 : vector<2048x64xi1>, vector<2048x64xf32>
    %slice3A = vector.extract_strided_slice %mul3A_3 {offsets = [0, 0], sizes = [2048, 64], strides = [1, 1]} : vector<2048x128xf32> to vector<2048x64xf32>
    %slice3A_14 = vector.extract_strided_slice %get3A_6 {offsets = [0, 0], sizes = [2048, 64], strides = [1, 1]} : vector<2048x128xf32> to vector<2048x64xf32>
    %dot_general3A = arith.constant dense<0.000000e+00> : vector<2048x2048xf32>
    %dot_general3A_15 = tpu.matmul %slice3A, %slice3A_14, %dot_general3A {dimension_numbers = #tpu.dot_dimension_numbers<[1], [1], [0], [0], [0, 0, 1, 0], [], []>, transpose_lhs_hint = false} : vector<2048x64xf32>, vector<2048x64xf32>, vector<2048x2048xf32> -> vector<2048x2048xf32>
    %exp3A = math.exp %dot_general3A_15 : vector<2048x2048xf32>
    %slice3A_16 = vector.extract_strided_slice %get3A_9 {offsets = [0, 0], sizes = [2048, 64], strides = [1, 1]} : vector<2048x128xf32> to vector<2048x64xf32>
    %concatenate3A = tpu.concatenate %slice3A_16, %select_n3A in 1 : vector<2048x64xf32>, vector<2048x64xf32> -> vector<2048x128xf32>
    %dot_general3A_17 = arith.constant dense<0.000000e+00> : vector<2048x128xf32>
    %dot_general3A_18 = tpu.matmul %exp3A, %concatenate3A, %dot_general3A_17 {dimension_numbers = #tpu.dot_dimension_numbers<[1], [0], [0], [1], [0, 0, 1, 1], [], []>, transpose_lhs_hint = false} : vector<2048x2048xf32>, vector<2048x128xf32>, vector<2048x128xf32> -> vector<2048x128xf32>
    %slice3A_19 = vector.extract_strided_slice %dot_general3A_18 {offsets = [0, 0], sizes = [2048, 64], strides = [1, 1]} : vector<2048x128xf32> to vector<2048x64xf32>
    %slice3A_20 = vector.extract_strided_slice %dot_general3A_18 {offsets = [0, 64], sizes = [2048, 1], strides = [1, 1]} : vector<2048x128xf32> to vector<2048x1xf32>
    %integer_pow3A = arith.constant 1.000000e+00 : f32
    %integer_pow3A_21 = vector.broadcast %integer_pow3A : f32 to vector<2048x1xf32>
    %integer_pow3A_22 = arith.divf %integer_pow3A_21, %slice3A_20 : vector<2048x1xf32>
    %mul3A_23 = vector.broadcast %integer_pow3A_22 : vector<2048x1xf32> to vector<2048x64xf32>
    %mul3A_24 = arith.mulf %slice3A_19, %mul3A_23 : vector<2048x64xf32>
    %slice3A_25 = vector.extract_strided_slice %mul3A_3 {offsets = [0, 64], sizes = [2048, 64], strides = [1, 1]} : vector<2048x128xf32> to vector<2048x64xf32>
    %slice3A_26 = vector.extract_strided_slice %get3A_6 {offsets = [0, 64], sizes = [2048, 64], strides = [1, 1]} : vector<2048x128xf32> to vector<2048x64xf32>
    %dot_general3A_27 = arith.constant dense<0.000000e+00> : vector<2048x2048xf32>
    %dot_general3A_28 = tpu.matmul %slice3A_25, %slice3A_26, %dot_general3A_27 {dimension_numbers = #tpu.dot_dimension_numbers<[1], [1], [0], [0], [0, 0, 1, 0], [], []>, transpose_lhs_hint = false} : vector<2048x64xf32>, vector<2048x64xf32>, vector<2048x2048xf32> -> vector<2048x2048xf32>
    %exp3A_29 = math.exp %dot_general3A_28 : vector<2048x2048xf32>
    %slice3A_30 = vector.extract_strided_slice %get3A_9 {offsets = [0, 64], sizes = [2048, 64], strides = [1, 1]} : vector<2048x128xf32> to vector<2048x64xf32>
    %concatenate3A_31 = tpu.concatenate %slice3A_30, %select_n3A in 1 : vector<2048x64xf32>, vector<2048x64xf32> -> vector<2048x128xf32>
    %dot_general3A_32 = arith.constant dense<0.000000e+00> : vector<2048x128xf32>
    %dot_general3A_33 = tpu.matmul %exp3A_29, %concatenate3A_31, %dot_general3A_32 {dimension_numbers = #tpu.dot_dimension_numbers<[1], [0], [0], [1], [0, 0, 1, 1], [], []>, transpose_lhs_hint = false} : vector<2048x2048xf32>, vector<2048x128xf32>, vector<2048x128xf32> -> vector<2048x128xf32>
    %slice3A_34 = vector.extract_strided_slice %dot_general3A_33 {offsets = [0, 0], sizes = [2048, 64], strides = [1, 1]} : vector<2048x128xf32> to vector<2048x64xf32>
    %slice3A_35 = vector.extract_strided_slice %dot_general3A_33 {offsets = [0, 64], sizes = [2048, 1], strides = [1, 1]} : vector<2048x128xf32> to vector<2048x1xf32>
    %integer_pow3A_36 = arith.constant 1.000000e+00 : f32
    %integer_pow3A_37 = vector.broadcast %integer_pow3A_36 : f32 to vector<2048x1xf32>
    %integer_pow3A_38 = arith.divf %integer_pow3A_37, %slice3A_35 : vector<2048x1xf32>
    %mul3A_39 = vector.broadcast %integer_pow3A_38 : vector<2048x1xf32> to vector<2048x64xf32>
    %mul3A_40 = arith.mulf %slice3A_34, %mul3A_39 : vector<2048x64xf32>
    %concatenate3A_41 = tpu.concatenate %mul3A_24, %mul3A_40 in 1 : vector<2048x64xf32>, vector<2048x64xf32> -> vector<2048x128xf32>
    %swap3A = arith.constant 0 : index
    %swap3A_42 = arith.constant 0 : index
    %swap3A_43 = vector.load %arg5[%swap3A, %swap3A_42] : memref<2048x128xf32, #tpu.memory_space<vmem>>, vector<2048x128xf32>
    tpu.vector_store %arg5[%swap3A, %swap3A_42], %concatenate3A_41 {strides = array<i32>} : memref<2048x128xf32, #tpu.memory_space<vmem>>, vector<2048x128xf32>,
    return
  }
  func.func @transform_0(%arg0: i32, %arg1: i32) -> (i32, i32) {
    %c0_i32 = arith.constant 0 : i32
    return %arg1, %arg0 : i32, i32
  }
  func.func @transform_1(%arg0: i32, %arg1: i32) -> (i32, i32) {
    %add3A = arith.constant 6 : i32
    %add3A_0 = arith.addi %add3A, %arg0 : i32
    %c0_i32 = arith.constant 0 : i32
    %c0_i32_1 = arith.constant 0 : i32
    return %c0_i32, %add3A_0 : i32, i32
  }
  func.func @transform_2(%arg0: i32, %arg1: i32) -> (i32, i32) {
    %add3A = arith.constant 12 : i32
    %add3A_0 = arith.addi %add3A, %arg0 : i32
    %c0_i32 = arith.constant 0 : i32
    %c0_i32_1 = arith.constant 0 : i32
    return %c0_i32, %add3A_0 : i32, i32
  }
  func.func @transform_3(%arg0: i32, %arg1: i32) -> (i32, i32) {
    %c0_i32 = arith.constant 0 : i32
    return %arg1, %arg0 : i32, i32
  }
}

module attributes {stable_mosaic.version = 14 : i64} {
  func.func @_ffn_body(%arg0: i32, %arg1: memref<640x768xf32, #tpu.memory_space<vmem>>, %arg2: memref<1x768x1536xf32, #tpu.memory_space<vmem>>, %arg3: memref<1x1x1536xf32, #tpu.memory_space<vmem>>, %arg4: memref<1x1536x768xf32, #tpu.memory_space<vmem>>, %arg5: memref<1x1x768xf32, #tpu.memory_space<vmem>>, %arg6: memref<640x768xf32, #tpu.memory_space<vmem>>) attributes {dimension_semantics = [#tpu.dimension_semantics<arbitrary>], iteration_bounds = array<i64: 8>, scalar_prefetch = 0 : i64, scratch_operands = 0 : i64, tpu.core_type = #tpu.core_type<tc>, window_params = [{transform_indices = @transform_0, window_bounds = array<i64: 640, 768>}, {transform_indices = @transform_1, window_bounds = array<i64: 1, 768, 1536>}, {transform_indices = @transform_2, window_bounds = array<i64: 1, 1, 1536>}, {transform_indices = @transform_3, window_bounds = array<i64: 1, 1536, 768>}, {transform_indices = @transform_4, window_bounds = array<i64: 1, 1, 768>}, {transform_indices = @transform_5, window_bounds = array<i64: 640, 768>}]} {
    %get3A = arith.constant 0 : index
    %get3A_0 = arith.constant 0 : index
    %get3A_1 = vector.load %arg1[%get3A, %get3A_0] : memref<640x768xf32, #tpu.memory_space<vmem>>, vector<640x768xf32>
    %get3A_2 = arith.constant 0 : index
    %get3A_3 = arith.constant 0 : index
    %get3A_4 = arith.constant 0 : index
    %get3A_5 = vector.load %arg2[%get3A_2, %get3A_3, %get3A_4] : memref<1x768x1536xf32, #tpu.memory_space<vmem>>, vector<1x768x1536xf32>
    %get3A_6 = vector.shape_cast %get3A_5 : vector<1x768x1536xf32> to vector<768x1536xf32>
    %dot_general3A = arith.constant dense<0.000000e+00> : vector<640x1536xf32>
    %dot_general3A_7 = tpu.matmul %get3A_1, %get3A_6, %dot_general3A {dimension_numbers = #tpu.dot_dimension_numbers<[1], [0], [0], [1], [0, 0, 1, 1], [], []>, transpose_lhs_hint = false} : vector<640x768xf32>, vector<768x1536xf32>, vector<640x1536xf32> -> vector<640x1536xf32>
    %get3A_8 = arith.constant 0 : index
    %get3A_9 = arith.constant 0 : index
    %get3A_10 = arith.constant 0 : index
    %get3A_11 = vector.load %arg3[%get3A_8, %get3A_9, %get3A_10] : memref<1x1x1536xf32, #tpu.memory_space<vmem>>, vector<1x1x1536xf32>
    %get3A_12 = vector.shape_cast %get3A_11 : vector<1x1x1536xf32> to vector<1x1536xf32>
    %add3A = vector.broadcast %get3A_12 : vector<1x1536xf32> to vector<640x1536xf32>
    %add3A_13 = arith.addf %dot_general3A_7, %add3A : vector<640x1536xf32>
    %max3A = arith.constant 0.000000e+00 : f32
    %max3A_14 = vector.broadcast %max3A : f32 to vector<640x1536xf32>
    %max3A_15 = arith.maximumf %add3A_13, %max3A_14 : vector<640x1536xf32>
    %get3A_16 = arith.constant 0 : index
    %get3A_17 = arith.constant 0 : index
    %get3A_18 = arith.constant 0 : index
    %get3A_19 = vector.load %arg4[%get3A_16, %get3A_17, %get3A_18] : memref<1x1536x768xf32, #tpu.memory_space<vmem>>, vector<1x1536x768xf32>
    %get3A_20 = vector.shape_cast %get3A_19 : vector<1x1536x768xf32> to vector<1536x768xf32>
    %dot_general3A_21 = arith.constant dense<0.000000e+00> : vector<640x768xf32>
    %dot_general3A_22 = tpu.matmul %max3A_15, %get3A_20, %dot_general3A_21 {dimension_numbers = #tpu.dot_dimension_numbers<[1], [0], [0], [1], [0, 0, 1, 1], [], []>, transpose_lhs_hint = false} : vector<640x1536xf32>, vector<1536x768xf32>, vector<640x768xf32> -> vector<640x768xf32>
    %get3A_23 = arith.constant 0 : index
    %get3A_24 = arith.constant 0 : index
    %get3A_25 = arith.constant 0 : index
    %get3A_26 = vector.load %arg5[%get3A_23, %get3A_24, %get3A_25] : memref<1x1x768xf32, #tpu.memory_space<vmem>>, vector<1x1x768xf32>
    %get3A_27 = vector.shape_cast %get3A_26 : vector<1x1x768xf32> to vector<1x768xf32>
    %add3A_28 = vector.broadcast %get3A_27 : vector<1x768xf32> to vector<640x768xf32>
    %add3A_29 = arith.addf %dot_general3A_22, %add3A_28 : vector<640x768xf32>
    %swap3A = arith.constant 0 : index
    %swap3A_30 = arith.constant 0 : index
    %swap3A_31 = vector.load %arg6[%swap3A, %swap3A_30] : memref<640x768xf32, #tpu.memory_space<vmem>>, vector<640x768xf32>
    tpu.vector_store %arg6[%swap3A, %swap3A_30], %add3A_29 {strides = array<i32>} : memref<640x768xf32, #tpu.memory_space<vmem>>, vector<640x768xf32>,
    return
  }
  func.func @transform_0(%arg0: i32) -> (i32, i32) {
    %c0_i32 = arith.constant 0 : i32
    %c0_i32_0 = arith.constant 0 : i32
    return %arg0, %c0_i32 : i32, i32
  }
  func.func @transform_1(%arg0: i32) -> (i32, i32, i32) {
    %c0_i32 = arith.constant 0 : i32
    %c0_i32_0 = arith.constant 0 : i32
    %c0_i32_1 = arith.constant 0 : i32
    return %arg0, %c0_i32, %c0_i32_0 : i32, i32, i32
  }
  func.func @transform_2(%arg0: i32) -> (i32, i32, i32) {
    %c0_i32 = arith.constant 0 : i32
    %c0_i32_0 = arith.constant 0 : i32
    %c0_i32_1 = arith.constant 0 : i32
    return %arg0, %c0_i32, %c0_i32_0 : i32, i32, i32
  }
  func.func @transform_3(%arg0: i32) -> (i32, i32, i32) {
    %c0_i32 = arith.constant 0 : i32
    %c0_i32_0 = arith.constant 0 : i32
    %c0_i32_1 = arith.constant 0 : i32
    return %arg0, %c0_i32, %c0_i32_0 : i32, i32, i32
  }
  func.func @transform_4(%arg0: i32) -> (i32, i32, i32) {
    %c0_i32 = arith.constant 0 : i32
    %c0_i32_0 = arith.constant 0 : i32
    %c0_i32_1 = arith.constant 0 : i32
    return %arg0, %c0_i32, %c0_i32_0 : i32, i32, i32
  }
  func.func @transform_5(%arg0: i32) -> (i32, i32) {
    %c0_i32 = arith.constant 0 : i32
    %c0_i32_0 = arith.constant 0 : i32
    return %arg0, %c0_i32 : i32, i32
  }
}

module attributes {stable_mosaic.version = 14 : i64} {
  func.func @_final_body(%arg0: i32, %arg1: memref<512x768xf32, #tpu.memory_space<vmem>>, %arg2: memref<512x2x768xf32, #tpu.memory_space<vmem>>, %arg3: memref<512x8xf32, #tpu.memory_space<vmem>>, %arg4: memref<1x768xf32, #tpu.memory_space<vmem>>, %arg5: memref<1x768xf32, #tpu.memory_space<vmem>>, %arg6: memref<512x768xf32, #tpu.memory_space<vmem>>) attributes {dimension_semantics = [#tpu.dimension_semantics<arbitrary>], iteration_bounds = array<i64: 4>, scalar_prefetch = 0 : i64, scratch_operands = 0 : i64, tpu.core_type = #tpu.core_type<tc>, window_params = [{transform_indices = @transform_0, window_bounds = array<i64: 512, 768>}, {transform_indices = @transform_1, window_bounds = array<i64: 512, 2, 768>}, {transform_indices = @transform_2, window_bounds = array<i64: 512, 8>}, {pipeline_mode = #tpu.pipeline_mode<synchronous>, transform_indices = @transform_3, window_bounds = array<i64: 1, 768>}, {pipeline_mode = #tpu.pipeline_mode<synchronous>, transform_indices = @transform_4, window_bounds = array<i64: 1, 768>}, {transform_indices = @transform_5, window_bounds = array<i64: 512, 768>}]} {
    %get3A = arith.constant 0 : index
    %get3A_0 = arith.constant 0 : index
    %get3A_1 = arith.constant 0 : index
    %get3A_2 = vector.load %arg2[%get3A, %get3A_0, %get3A_1] : memref<512x2x768xf32, #tpu.memory_space<vmem>>, vector<512x1x768xf32>
    %get3A_3 = vector.shape_cast %get3A_2 : vector<512x1x768xf32> to vector<512x768xf32>
    %get3A_4 = arith.constant 0 : index
    %get3A_5 = arith.constant 1 : index
    %get3A_6 = arith.constant 0 : index
    %get3A_7 = vector.load %arg2[%get3A_4, %get3A_5, %get3A_6] : memref<512x2x768xf32, #tpu.memory_space<vmem>>, vector<512x1x768xf32>
    %get3A_8 = vector.shape_cast %get3A_7 : vector<512x1x768xf32> to vector<512x768xf32>
    %get3A_9 = arith.constant 0 : index
    %get3A_10 = arith.constant 0 : index
    %get3A_11 = vector.load %arg3[%get3A_9, %get3A_10] : memref<512x8xf32, #tpu.memory_space<vmem>>, vector<512x1xf32>
    %get3A_12 = arith.constant 0 : index
    %get3A_13 = arith.constant 1 : index
    %get3A_14 = vector.load %arg3[%get3A_12, %get3A_13] : memref<512x8xf32, #tpu.memory_space<vmem>>, vector<512x1xf32>
    %get3A_15 = arith.constant 0 : index
    %get3A_16 = arith.constant 2 : index
    %get3A_17 = vector.load %arg3[%get3A_15, %get3A_16] : memref<512x8xf32, #tpu.memory_space<vmem>>, vector<512x1xf32>
    %get3A_18 = arith.constant 0 : index
    %get3A_19 = arith.constant 3 : index
    %get3A_20 = vector.load %arg3[%get3A_18, %get3A_19] : memref<512x8xf32, #tpu.memory_space<vmem>>, vector<512x1xf32>
    %gt3A = arith.constant 0.000000e+00 : f32
    %gt3A_21 = vector.broadcast %gt3A : f32 to vector<512x1xf32>
    %gt3A_22 = arith.cmpf ogt, %get3A_17, %gt3A_21 : vector<512x1xf32>
    %mul3A = vector.broadcast %get3A_11 : vector<512x1xf32> to vector<512x768xf32>
    %mul3A_23 = arith.mulf %mul3A, %get3A_3 : vector<512x768xf32>
    %jit3A = arith.constant 0.000000e+00 : f32
    %broadcast_in_dim3A = vector.shape_cast %gt3A_22 : vector<512x1xi1> to vector<512x1xi1>
    %broadcast_in_dim3A_24 = vector.broadcast %broadcast_in_dim3A : vector<512x1xi1> to vector<512x768xi1>
    %broadcast_in_dim3A_25 = vector.broadcast %jit3A : f32 to vector<512x768xf32>
    %select_n3A = arith.select %broadcast_in_dim3A_24, %mul3A_23, %broadcast_in_dim3A_25 : vector<512x768xi1>, vector<512x768xf32>
    %gt3A_26 = arith.constant 0.000000e+00 : f32
    %gt3A_27 = vector.broadcast %gt3A_26 : f32 to vector<512x1xf32>
    %gt3A_28 = arith.cmpf ogt, %get3A_20, %gt3A_27 : vector<512x1xf32>
    %mul3A_29 = vector.broadcast %get3A_14 : vector<512x1xf32> to vector<512x768xf32>
    %mul3A_30 = arith.mulf %mul3A_29, %get3A_8 : vector<512x768xf32>
    %jit3A_31 = arith.constant 0.000000e+00 : f32
    %broadcast_in_dim3A_32 = vector.shape_cast %gt3A_28 : vector<512x1xi1> to vector<512x1xi1>
    %broadcast_in_dim3A_33 = vector.broadcast %broadcast_in_dim3A_32 : vector<512x1xi1> to vector<512x768xi1>
    %broadcast_in_dim3A_34 = vector.broadcast %jit3A_31 : f32 to vector<512x768xf32>
    %select_n3A_35 = arith.select %broadcast_in_dim3A_33, %mul3A_30, %broadcast_in_dim3A_34 : vector<512x768xi1>, vector<512x768xf32>
    %add3A = arith.addf %select_n3A, %select_n3A_35 : vector<512x768xf32>
    %get3A_36 = arith.constant 0 : index
    %get3A_37 = arith.constant 0 : index
    %get3A_38 = vector.load %arg1[%get3A_36, %get3A_37] : memref<512x768xf32, #tpu.memory_space<vmem>>, vector<512x768xf32>
    %add3A_39 = arith.addf %get3A_38, %add3A : vector<512x768xf32>
    %get3A_40 = arith.constant 0 : index
    %get3A_41 = arith.constant 0 : index
    %get3A_42 = vector.load %arg4[%get3A_40, %get3A_41] : memref<1x768xf32, #tpu.memory_space<vmem>>, vector<1x768xf32>
    %get3A_43 = arith.constant 0 : index
    %get3A_44 = arith.constant 0 : index
    %get3A_45 = vector.load %arg5[%get3A_43, %get3A_44] : memref<1x768xf32, #tpu.memory_space<vmem>>, vector<1x768xf32>
    %reduce_sum3A = arith.constant dense<0.000000e+00> : vector<512xf32>
    %reduce_sum3A_46 = vector.multi_reduction <add>, %add3A_39, %reduce_sum3A [1] : vector<512x768xf32> to vector<512xf32>
    %broadcast_in_dim3A_47 = vector.shape_cast %reduce_sum3A_46 : vector<512xf32> to vector<512x1xf32>
    %div3A = arith.constant 7.680000e+02 : f32
    %div3A_48 = vector.broadcast %div3A : f32 to vector<512x1xf32>
    %div3A_49 = arith.divf %broadcast_in_dim3A_47, %div3A_48 : vector<512x1xf32>
    %jit3A_50 = arith.constant 0 : i32
    %reduce_sum3A_51 = arith.constant dense<0.000000e+00> : vector<512xf32>
    %reduce_sum3A_52 = vector.multi_reduction <add>, %add3A_39, %reduce_sum3A_51 [1] : vector<512x768xf32> to vector<512xf32>
    %broadcast_in_dim3A_53 = vector.shape_cast %reduce_sum3A_52 : vector<512xf32> to vector<512x1xf32>
    %div3A_54 = arith.constant 7.680000e+02 : f32
    %div3A_55 = vector.broadcast %div3A_54 : f32 to vector<512x1xf32>
    %div3A_56 = arith.divf %broadcast_in_dim3A_53, %div3A_55 : vector<512x1xf32>
    %sub3A = vector.broadcast %div3A_56 : vector<512x1xf32> to vector<512x768xf32>
    %sub3A_57 = arith.subf %add3A_39, %sub3A : vector<512x768xf32>
    %square3A = arith.mulf %sub3A_57, %sub3A_57 : vector<512x768xf32>
    %convert_element_type3A = arith.sitofp %jit3A_50 : i32 to f32
    %sub3A_58 = arith.constant 7.680000e+02 : f32
    %sub3A_59 = arith.subf %sub3A_58, %convert_element_type3A : f32
    %reduce_sum3A_60 = arith.constant dense<0.000000e+00> : vector<512xf32>
    %reduce_sum3A_61 = vector.multi_reduction <add>, %square3A, %reduce_sum3A_60 [1] : vector<512x768xf32> to vector<512xf32>
    %broadcast_in_dim3A_62 = vector.shape_cast %reduce_sum3A_61 : vector<512xf32> to vector<512x1xf32>
    %div3A_63 = vector.broadcast %sub3A_59 : f32 to vector<512x1xf32>
    %div3A_64 = arith.divf %broadcast_in_dim3A_62, %div3A_63 : vector<512x1xf32>
    %gt3A_65 = arith.constant 0.000000e+00 : f32
    %gt3A_66 = arith.cmpf ogt, %sub3A_59, %gt3A_65 : f32
    %jit3A_67 = arith.constant 0x7FC00000 : f32
    %broadcast_in_dim3A_68 = vector.broadcast %jit3A_67 : f32 to vector<512x1xf32>
    %select_n3A_69 = arith.select %gt3A_66, %div3A_64, %broadcast_in_dim3A_68 : vector<512x1xf32>
    %sub3A_70 = vector.broadcast %div3A_49 : vector<512x1xf32> to vector<512x768xf32>
    %sub3A_71 = arith.subf %add3A_39, %sub3A_70 : vector<512x768xf32>
    %add3A_72 = arith.constant 9.99999974E-6 : f32
    %add3A_73 = vector.broadcast %add3A_72 : f32 to vector<512x1xf32>
    %add3A_74 = arith.addf %select_n3A_69, %add3A_73 : vector<512x1xf32>
    %sqrt3A = math.sqrt %add3A_74 : vector<512x1xf32>
    %div3A_75 = vector.broadcast %sqrt3A : vector<512x1xf32> to vector<512x768xf32>
    %div3A_76 = arith.divf %sub3A_71, %div3A_75 : vector<512x768xf32>
    %mul3A_77 = vector.broadcast %get3A_42 : vector<1x768xf32> to vector<512x768xf32>
    %mul3A_78 = arith.mulf %div3A_76, %mul3A_77 : vector<512x768xf32>
    %add3A_79 = vector.broadcast %get3A_45 : vector<1x768xf32> to vector<512x768xf32>
    %add3A_80 = arith.addf %mul3A_78, %add3A_79 : vector<512x768xf32>
    %swap3A = arith.constant 0 : index
    %swap3A_81 = arith.constant 0 : index
    %swap3A_82 = vector.load %arg6[%swap3A, %swap3A_81] : memref<512x768xf32, #tpu.memory_space<vmem>>, vector<512x768xf32>
    tpu.vector_store %arg6[%swap3A, %swap3A_81], %add3A_80 {strides = array<i32>} : memref<512x768xf32, #tpu.memory_space<vmem>>, vector<512x768xf32>,
    return
  }
  func.func @transform_0(%arg0: i32) -> (i32, i32) {
    %c0_i32 = arith.constant 0 : i32
    %c0_i32_0 = arith.constant 0 : i32
    return %arg0, %c0_i32 : i32, i32
  }
  func.func @transform_1(%arg0: i32) -> (i32, i32, i32) {
    %c0_i32 = arith.constant 0 : i32
    %c0_i32_0 = arith.constant 0 : i32
    %c0_i32_1 = arith.constant 0 : i32
    return %arg0, %c0_i32, %c0_i32_0 : i32, i32, i32
  }
  func.func @transform_2(%arg0: i32) -> (i32, i32) {
    %c0_i32 = arith.constant 0 : i32
    %c0_i32_0 = arith.constant 0 : i32
    return %arg0, %c0_i32 : i32, i32
  }
  func.func @transform_3(%arg0: i32) -> (i32, i32) {
    %c0_i32 = arith.constant 0 : i32
    %c0_i32_0 = arith.constant 0 : i32
    %c0_i32_1 = arith.constant 0 : i32
    return %c0_i32, %c0_i32_0 : i32, i32
  }
  func.func @transform_4(%arg0: i32) -> (i32, i32) {
    %c0_i32 = arith.constant 0 : i32
    %c0_i32_0 = arith.constant 0 : i32
    %c0_i32_1 = arith.constant 0 : i32
    return %c0_i32, %c0_i32_0 : i32, i32
  }
  func.func @transform_5(%arg0: i32) -> (i32, i32) {
    %c0_i32 = arith.constant 0 : i32
    %c0_i32_0 = arith.constant 0 : i32
    return %arg0, %c0_i32 : i32, i32
  }
}

</mosaic_0001>

<sc_bundles>
// kernel: kernel.12.cloned.1.call-start
scs
__scs_entry_jumppad:
0x0: {  	(pc) =	sbr.rel $0x88, $3  }
0x1: {  	(tag) =	ssettag $0x0;
	lr =	simm.s32 $0x1  }
0x2: {  	[smem:$0x3F8F] =	sst lr;
	_ =	strace $0xD0000000  }
0x3: {  	_ = 	snop  }
0x4: {  	_ = 	snop  }
0x5: {  	_ = 	snop  }
0x6: {  	_ = 	snop  }
0x7: {  	_ = 	snop  }
__scs_overlays_trampoline_lowered:
0x8: {  	[smem:$0x3F9E] =	sst s0  }
0x9: {  	[smem:$0x3F9F] =	sst s1  }
0xa: {  	[smem:$0x3FA0] =	sst s2  }
0xb: {  	[smem:$0x3FA1] =	sst s3  }
0xc: {  	[smem:$0x3FA2] =	sst s4  }
0xd: {  	[smem:$0x3FA3] =	sst s5  }
0xe: {  	[smem:$0x3FA4] =	sst s6  }
0xf: {  	[smem:$0x3FA5] =	sst s7  }
0x10: {  	[smem:$0x3FA6] =	sst s8  }
0x11: {  	[smem:$0x3FA7] =	sst s9;
	s0 =	simm.s32 @!p0 $0x0  }
0x12: {  	s1 =	sld [smem:$0x3F8D];
	s0 =	simm.s32 @p0 $0x1  }
0x13: {  	[smem:$0x3FA8] =	sst s0;
	s0 =	simm.s32 @!p1 $0x0  }
0x14: {  	s2 =	sld [smem:$0x3F8C];
	s0 =	simm.s32 @p1 $0x1  }
0x15: {  	[smem:$0x3FA9] =	sst s0;
	s0 =	simm.s32 @!p2 $0x0  }
0x16: {  	s3 =	sld [smem:$0x3FDB];
	s0 =	simm.s32 @p2 $0x1  }
0x17: {  	s4 =	simm.s32 $0x1BF5;
	[smem:$0x3FAB] =	sst s0  }
0x18: {  	s0 =	sld [smem:$0x3F8E];
	_ =	swait.ge [sflag:s4], $0x0  }
0x19: {  	s7 =	sld [smem:$0x3F8F]  }
0x1a: {  	s8 =	sadd.s32 $0xFFFFE003, lr  }
0x1b: {  	s9 =	sadd.s32 $0xFFFFFEF7, lr;
	s5 =	simm.s32 $0xFFFFFFFF;
	p2 =	slt.u32 s8, $0xFFFFF086  }
0x1c: {  	p1 =	slt.u32 s9, $0xF7A;
	s5 =	simm.s32 @!p2 $0x0  }
0x1d: {  	s5 =	simm.s32 @p1 $0x1;
	p0 =	seq.s32 s7, s2  }
0x1e: {  	s7 =	smul.u32 @!p0 $0xF7A, s2;
	p2 =	seq.s32 @!p0 s5, $0x0  }
0x1f: {  	s9 =	smul.u32 $0xF7A, s1;
	s8 =	simm.s32 @!p0 $0x1BF5;
	p2 =	por !p2, p0  }
0x20: {  	[sflag:s8] =	ssyncset.s32 @!p0 $0xFFFFF086;
	s6 =	sadd.s32 @!p0 s3, s7;
	s7 =	simm.s32 @!p0 $0x108  }
0x21: {  	s3 =	sadd.s32 s3, s9;
	s6 =	sadd.s32 @!p0 $0x88, s6;
	s7 =	simm.s32 @p2 $0x1082  }
0x22: {  	[simem:s7], [sflag:s8] =	dma.local @!p0 [hbm:s6], $0xF7A  }
0x23: {  	s9 =	sor.u32 $0xD0000000, s2;
	s6 =	simm.s32 $0x108;
	_ =	swait.ge @!p0 [sflag:s8], $0x0  }
0x24: {  	s3 =	sadd.s32 $0x88, s3;
	s6 =	simm.s32 @!p1 $0x1082;
	[sflag:s4] =	ssyncset.s32 $0xFFFFF086  }
0x25: {  	[simem:s6], [sflag:s4] =	dma.local [hbm:s3], $0xF7A  }
0x26: {  	[smem:$0x3F8F] =	sst s1;
	(tag) =	ssettag s2;
	_ =	strace s9  }
0x27: {  	s1 =	sld [smem:$0x3F9F]  }
0x28: {  	s2 =	sld [smem:$0x3FA0]  }
0x29: {  	s4 =	sld [smem:$0x3FA2]  }
0x2a: {  	p0 =	seq.s32 s5, $0x0;
	s5 =	sld [smem:$0x3FA3]  }
0x2b: {  	s6 =	sld [smem:$0x3FA4]  }
0x2c: {  	s7 =	sld [smem:$0x3FA5]  }
0x2d: {  	s3 =	simm.s32 $0x108;
	s8 =	sld [smem:$0x3FA6]  }
0x2e: {  	s3 =	simm.s32 @!p0 $0x1082;
	s9 =	sld [smem:$0x3FA7]  }
0x2f: {  	lr =	sadd.s32 s0, s3;
	s0 =	sld [smem:$0x3F9E]  }
0x30: {  	s3 =	sld [smem:$0x3FA1]  }
0x31: {  	[smem:$0x3FAA] =	sst s10  }
0x32: {  	s10 =	sld [smem:$0x3FA8];
	_ =	sdelay $0x3  }
0x33: {  	p0 =	seq.s32 s10, $0x1;
	s10 =	sld [smem:$0x3FAA];
	_ =	sdelay $0x3  }
0x34: {  	[smem:$0x3FAA] =	sst s10  }
0x35: {  	s10 =	sld [smem:$0x3FA9];
	_ =	sdelay $0x3  }
0x36: {  	p1 =	seq.s32 s10, $0x1;
	s10 =	sld [smem:$0x3FAA];
	_ =	sdelay $0x3  }
0x37: {  	[smem:$0x3FAA] =	sst s10  }
0x38: {  	s10 =	sld [smem:$0x3FAB]  }
0x39: {  	_ = 	snop;
	(pc) =	sbr.ind lr, $3  }
0x3a: {  	_ = 	snop  }
0x3b: {  	_ = 	snop  }
0x3c: {  	p2 =	seq.s32 s10, $0x1;
	s10 =	sld [smem:$0x3FAA]  }
0x3d: {  	_ =	shalt  }
0x3e: {  	_ =	shalt  }
0x3f: {  	_ =	shalt  }
0x40: {  	_ =	shalt  }
0x41: {  	_ =	shalt  }
0x42: {  	_ =	shalt  }
0x43: {  	_ =	shalt  }
0x44: {  	_ =	shalt  }
0x45: {  	_ =	shalt  }
0x46: {  	_ =	shalt  }
0x47: {  	_ =	shalt  }
0x48: {  	_ =	shalt  }
0x49: {  	_ =	shalt  }
0x4a: {  	_ =	shalt  }
0x4b: {  	_ =	shalt  }
0x4c: {  	_ =	shalt  }
0x4d: {  	_ =	shalt  }
0x4e: {  	_ =	shalt  }
0x4f: {  	_ =	shalt  }
0x50: {  	_ =	shalt  }
0x51: {  	_ =	shalt  }
0x52: {  	_ =	shalt  }
0x53: {  	_ =	shalt  }
0x54: {  	_ =	shalt  }
0x55: {  	_ =	shalt  }
0x56: {  	_ =	shalt  }
0x57: {  	_ =	shalt  }
0x58: {  	_ =	shalt  }
0x59: {  	_ =	shalt  }
0x5a: {  	_ =	shalt  }
0x5b: {  	_ =	shalt  }
0x5c: {  	_ =	shalt  }
0x5d: {  	_ =	shalt  }
0x5e: {  	_ =	shalt  }
0x5f: {  	_ =	shalt  }
0x60: {  	_ =	shalt  }
0x61: {  	_ =	shalt  }
0x62: {  	_ =	shalt  }
0x63: {  	_ =	shalt  }
0x64: {  	_ =	shalt  }
0x65: {  	_ =	shalt  }
0x66: {  	_ =	shalt  }
0x67: {  	_ =	shalt  }
0x68: {  	_ =	shalt  }
0x69: {  	_ =	shalt  }
0x6a: {  	_ =	shalt  }
0x6b: {  	_ =	shalt  }
0x6c: {  	_ =	shalt  }
0x6d: {  	_ =	shalt  }
0x6e: {  	_ =	shalt  }
0x6f: {  	_ =	shalt  }
0x70: {  	_ =	shalt  }
0x71: {  	_ =	shalt  }
0x72: {  	_ =	shalt  }
0x73: {  	_ =	shalt  }
0x74: {  	_ =	shalt  }
0x75: {  	_ =	shalt  }
0x76: {  	_ =	shalt  }
0x77: {  	_ =	shalt  }
0x78: {  	_ =	shalt  }
0x79: {  	_ =	shalt  }
0x7a: {  	_ =	shalt  }
0x7b: {  	_ =	shalt  }
0x7c: {  	_ =	shalt  }
0x7d: {  	_ =	shalt  }
0x7e: {  	_ =	shalt  }
0x7f: {  	_ =	shalt  }
0x80: {  	_ =	shalt  }
0x81: {  	_ =	shalt  }
0x82: {  	_ =	shalt  }
0x83: {  	_ =	shalt  }
0x84: {  	_ =	shalt  }
0x85: {  	_ =	shalt  }
0x86: {  	_ =	shalt  }
0x87: {  	_ =	shalt  }
.Lfunc_end0:
.L_simem_size_0:
called_computation.1_lowered:
.L_overlay_start_0:
0x88: {  	s2 =	sld [smem:$0x3FD9]  }
0x89: {  	s3 =	sld [smem:$0x3FFE];
	_ =	sdelay $0x1  }
0x8a: {  	s1 =	srdreg.scid  }
0x8b: {  	s0 =	sand.u32 $0x1, s1  }
0x8c: {  	s16 =	sshll.u32 s0, $0xA;
	s2 =	sadd.s32 s3, s2  }
0x8d: {  	s2 =	sadd.s32 s2, s16  }
0x8e: {  	[smem:$0x3FB6] =	sst s2  }
0x8f: {  	_ = 	snop  }
0x90: {  	(tm) =	ssettm $0x1  }
0x91: {  	s17 =	sld [smem:$0x3FFB];
	_ =	sdelay $0x3  }
0x92: {  	_ =	strace s17  }
0x93: {  	s2 =	sld [smem:$0x3FFC];
	_ =	sdelay $0x3  }
0x94: {  	_ =	strace s2  }
0x95: {  	s2 =	sld [smem:$0x3FFD];
	_ =	sdelay $0x3  }
0x96: {  	_ =	strace s2  }
0x97: {  	_ =	strace $0x8FFFFFFF  }
0x98: {  	s18 =	sld [smem:$0x3FDB];
	_ =	sdelay $0x1  }
0x99: {  	s19 =	simm.s32 $_scs_section_size  }
0x9a: {  	s4 =	simm.s32 $_size__tile_overlayer_lowered;
	s5 =	simm.s32 $_tile_overlayer_lowered  }
0x9b: {  	s22 =	simm.s32 $0x1BFF;
	s21 =	sshll.u32 s5, $0x1;
	s2 =	sadd.s32 s19, s18  }
0x9c: {  	s6 =	simm.s32 $0x0;
	s20 =	sshll.u32 s4, $0x1;
	s4 =	sadd.s32 s21, s2  }
0x9d: {  	[timem:s6], [sflag:s22] =	dma.local [hbm:s4], s20  }
0x9e: {  	_ =	swait.ge [sflag:s22], s20  }
0x9f: {  	s3 =	ssub.s32 $0x0, s20;
	[sflag:s22] =	ssyncset.done $0x0  }
0xa0: {  	[sflag:s22] =	ssyncadd.s32 s3;
	_ =	sdelay $0x1  }
0xa1: {  	s23 =	simm.s32 $0x1B8B  }
0xa2: {  	_ =	swait.ge [sflag:s23], $0x1  }
0xa3: {  	[sflag:s23] =	ssyncset.done $0x0  }
0xa4: {  	s25 =	simm.s32 $0x1B8E;
	s24 =	sld [smem:$0x3FFE];
	[sflag:s23] =	ssyncadd.s32 $0xFFFFFFFF  }
0xa5: {  	s26 =	simm.s32 $execute0_lowered;
	[smem:$0x3FD2] =	sst s25  }
0xa6: {  	s4 =	sshll.u32 s26, $0x1;
	_ =	strace $0x80000049;
	[dreg:$0x1] =	wrdreg $0xFFFFFFFF  }
0xa7: {  	s28 =	simm.s32 $_size_execute0_lowered;
	s2 =	sadd.s32 s2, s4;
	[dreg:$0x0] =	wrdreg $0x0  }
0xa8: {  	s4 =	sshll.u32 s28, $0x1;
	[dreg:$0x2] =	wrdreg s2  }
0xa9: {  	[dreg:$0x3] =	wrdreg s4  }
0xaa: {  	[dreg:$0x4] =	wrdreg $0xC0  }
0xab: {  	_ =	task [dreg:s6], $0x5FFFF  }
0xac: {  	[dreg:$0x1] =	wrdreg $0xFFFFFFFF  }
0xad: {  	[dreg:$0x0] =	wrdreg $0x60  }
0xae: {  	[dreg:$0x2] =	wrdreg s24  }
0xaf: {  	[dreg:$0x3] =	wrdreg $0x9  }
0xb0: {  	_ =	task.clear_ibuf [dreg:s6], $0x4FFFF;
	_ =	strace $0x90000049  }
0xb1: {  	s29 =	simm.s32 $0x9;
	_ =	strace $0x8000004B  }
0xb2: {  	_ =	swait.ge [sflag:s29], $0x1  }
0xb3: {  	[sflag:s29] =	ssyncadd.s32 $0xFFFFFFFF  }
0xb4: {  	_ =	strace $0x9000004B  }
0xb5: {  	_ =	sfence  }
0xb6: {  	s30 =	sld [smem:$0x0];
	_ =	sdelay $0x2  }
0xb7: {  	s31 =	sshll.u32 s1, $0xD;
	s1 =	sshrl.u32 s1, $0x2  }
0xb8: {  	s3 =	sand.u32 $0x4000, s31;
	s1 =	sadd.s32 s1, s30  }
0xb9: {  	s0 =	sor.u32 s3, s0;
	s1 =	sshll.u32 s1, $0x11  }
0xba: {  	s0 =	sor.u32 s1, s0  }
0xbb: {  	s0 =	sadd.s32 $0x8F2B, s0  }
0xbc: {  	[sflag:s0] =	ssyncadd.remote.s32 $0x1  }
0xbd: {  	_ =	sfence.sel $0xFFFF  }
0xbe: {  	[dreg:$0x0] =	wrdreg $0xFFFFFFFF;
	(pc) =	sbr.abs _section_cstart, $3  }
0xbf: {  	[dreg:$0x1] =	wrdreg $0xFFFFFFFF  }
0xc0: {  	_ =	task.clear_ibuf [dreg:s6], $0x2FFFF;
	_ =	strace $0x9FFFFFFF  }
0xc1: {  	(tm) =	ssettm $0x7FFFFFFF  }
tec
execute0_lowered:
.L_overlay_start_1:
0x0: {  	(tag) =	ssettag $0x1  }
0x1: {  	s1 =	srdreg.scid  }
0x2: {  	s0 =	stileid.u32;
	s1 =	sand.u32 $0x1, s1  }
0x3: {  	s2 =	sshll.u32 s0, $0x5;
	s3 =	sshll.u32 s1, $0x4  }
0x4: {  	s5 =	rddreg [dreg:$0x0];
	s3 =	sor.u32 s3, s2;
	s2 =	simm.s32 $0x0  }
0x5: {  	s26 =	simm.s32 $0x880;
	[smem:$0x7FF] =	sst s2  }
0x6: {  	s0 =	simm.s32 $0x1080;
	_ =	strace $0x8000004A;
	[dreg:$0x4] =	wrdreg s26  }
0x7: {  	s6 =	simm.s32 $0x2080;
	[dreg:$0x5] =	wrdreg s0  }
0x8: {  	s7 =	simm.s32 $0x2880;
	[dreg:$0x7] =	wrdreg s6  }
0x9: {  	s8 =	simm.s32 $0x3080;
	[dreg:$0x8] =	wrdreg s7  }
0xa: {  	s9 =	simm.s32 $0x3880;
	[dreg:$0x9] =	wrdreg s8  }
0xb: {  	s10 =	simm.s32 $0x4080;
	[dreg:$0xa] =	wrdreg s9  }
0xc: {  	s11 =	simm.s32 $0x4880;
	[dreg:$0xb] =	wrdreg s10  }
0xd: {  	s12 =	simm.s32 $0x5080;
	[dreg:$0xc] =	wrdreg s11  }
0xe: {  	s13 =	simm.s32 $0x5880;
	[dreg:$0xd] =	wrdreg s12  }
0xf: {  	s14 =	simm.s32 $0x6080;
	[dreg:$0xe] =	wrdreg s13  }
0x10: {  	s15 =	simm.s32 $0x6880;
	[dreg:$0xf] =	wrdreg s14  }
0x11: {  	s16 =	simm.s32 $0x7080;
	[dreg:$0x10] =	wrdreg s15  }
0x12: {  	s17 =	simm.s32 $0x7880;
	s18 =	simm.s32 $0x8080;
	[dreg:$0x11] =	wrdreg s16  }
0x13: {  	s19 =	simm.s32 $0x8880;
	s20 =	simm.s32 $0x9080;
	[dreg:$0x12] =	wrdreg s17  }
0x14: {  	s21 =	simm.s32 $0x9880;
	s22 =	simm.s32 $0xA080;
	[dreg:$0x13] =	wrdreg s18  }
0x15: {  	s23 =	simm.s32 $0xA880;
	s24 =	simm.s32 $0xB880;
	[dreg:$0x14] =	wrdreg s19  }
0x16: {  	s28 =	simm.s32 $0x16080;
	s29 =	simm.s32 $0x16880;
	[dreg:$0x15] =	wrdreg s20  }
0x17: {  	s30 =	simm.s32 $0x17080;
	s31 =	simm.s32 $0x17880;
	[dreg:$0x16] =	wrdreg s21  }
0x18: {  	s4 =	smul.u32 $0x300, s3;
	s3 =	sadd.s32 s3, s5;
	[dreg:$0x17] =	wrdreg s22  }
0x19: {  	s1 =	ssub.s32 $0x2, s1;
	s3 =	sadd.s32 $0x7B000, s3;
	[dreg:$0x18] =	wrdreg s23  }
0x1a: {  	s6 =	sshrl.u32 s1, $0x1;
	s7 =	simm.s32 $0xB080;
	[dreg:$0x1a] =	wrdreg s24  }
0x1b: {  	s8 =	simm.s32 $0x80;
	s26 =	simm.s32 $0xC880;
	s10 =	simm.s32 $0xD880  }
0x1c: {  	s11 =	simm.s32 $0xE080;
	s12 =	simm.s32 $0xE880;
	s13 =	simm.s32 $0xF080  }
0x1d: {  	s14 =	simm.s32 $0xF880;
	s15 =	simm.s32 $0x10080;
	s16 =	simm.s32 $0x10880  }
0x1e: {  	s17 =	simm.s32 $0x11080;
	s18 =	simm.s32 $0x11880;
	s19 =	simm.s32 $0x12080  }
0x1f: {  	s20 =	simm.s32 $0x12880;
	s21 =	simm.s32 $0x13080;
	s22 =	simm.s32 $0x13880  }
0x20: {  	s23 =	simm.s32 $0x14080;
	s24 =	simm.s32 $0x14880;
	[dreg:$0x2] =	wrdreg s3  }
0x21: {  	s4 =	sadd.s32 s4, s5;
	s3 =	sadd.s32 $0x2000, s5;
	[dreg:$0x19] =	wrdreg s7  }
0x22: {  	s1 =	ssub.s32 s1, s6;
	s7 =	simm.s32 $0x2;
	[dreg:$0x1c] =	wrdreg s26  }
0x23: {  	s26 =	simm.s32 $0x15880;
	s25 =	sadd.s32 $0x7B200, s4;
	s4 =	simm.s32 $0x1880  }
0x24: {  	v2 =	vlaneseq.u32;
	s6 =	smax.u32 s1, $0x1;
	s1 =	simm.s32 $0x1;
	[dreg:$0x3] =	wrdreg s25  }
0x25: {  	vm0 =	vmmov $0xffff;
	v1 =	vshrl.u32 v2, $0x3;
	[dreg:$0x6] =	wrdreg s4;
	s4 =	sadd.s32 $0x2100, s5;
	s25 =	simm.s32 $0xC080  }
0x26: {  	v0 =	vand.u32 $0x7, v2;
	v2 =	vor.u32 $0x8, v2;
	v1 =	vmul.u32 $0x8, v1;
	s5 =	sadd.s32 $0x2200, s5;
	[dreg:$0x1b] =	wrdreg s25;
	s25 =	simm.s32 $0x15080  }
.LBB2_1:
0x27: {  	s0 =	rddreg [dreg:$0x2]  }
0x28: {  	[tilespmem:s2], [sflag:$0x2] =	stream.linear.gather [hbm4b:s0+s2], $0x80, $0x38;
	[tilespmem:$0x18080] =	vst v63  }
0x29: {  	_ =	swait.ge [sflag:s7], $0x80  }
0x2a: {  	[sflag:s7] =	ssyncset.done $0x0  }
0x2b: {  	[sflag:s7] =	ssyncadd.s32 $0xFFFFFF80  }
0x2c: {  	v3 =	vld [tilespmem:$0x0];
	_ =	sdelay $0x4  }
0x2d: {  	v4 =	vshrl.u32 v3, $0x3  }
0x2e: {  	v4 =	vmul.u32 $0x30, v4  }
0x2f: {  	v3 =	vand.u32 $0x7, v3  }
0x30: {  	v3 =	vor.u32 v3, v4  }
0x31: {  	v4 =	vperm.xlane v3, v0;
	_ =	sdelay $0x1  }
0x32: {  	v4 =	vadd.s32 v1, v4;
	_ =	sdelay $0x3  }
0x33: {  	v3 =	vperm.xlane v3, v2  }
0x34: {  	[tilespmem:s8], [sflag:$0x1] =	stream.indirect_vreg.gather [hbm4b:s3+s2], $0x80, v4, vm0, $0xb8;
	[tilespmem:$0x18080] =	vst v63  }
0x35: {  	s0 =	rddreg [dreg:$0x4];
	v3 =	vadd.s32 v1, v3  }
0x36: {  	[tilespmem:s0], [sflag:$0x1] =	stream.indirect_vreg.gather [hbm4b:s4+s2], $0x80, v4, vm0, $0xb8;
	[tilespmem:$0x18080] =	vst v63  }
0x37: {  	s9 =	rddreg [dreg:$0x5]  }
0x38: {  	[tilespmem:s9], [sflag:$0x1] =	stream.indirect_vreg.gather [hbm4b:s5+s2], $0x80, v4, vm0, $0xb8;
	[tilespmem:$0x18080] =	vst v63  }
0x39: {  	s0 =	rddreg [dreg:$0x6]  }
0x3a: {  	[tilespmem:s0], [sflag:$0x1] =	stream.indirect_vreg.gather [hbm4b:s3+s2], $0x80, v3, vm0, $0xb8;
	[tilespmem:$0x18080] =	vst v63  }
0x3b: {  	s9 =	rddreg [dreg:$0x7]  }
0x3c: {  	[tilespmem:s9], [sflag:$0x1] =	stream.indirect_vreg.gather [hbm4b:s4+s2], $0x80, v3, vm0, $0xb8;
	[tilespmem:$0x18080] =	vst v63  }
0x3d: {  	s0 =	rddreg [dreg:$0x8]  }
0x3e: {  	[tilespmem:s0], [sflag:$0x1] =	stream.indirect_vreg.gather [hbm4b:s5+s2], $0x80, v3, vm0, $0xb8;
	[tilespmem:$0x18080] =	vst v63  }
0x3f: {  	v3 =	vld [tilespmem:$0x10];
	_ =	sdelay $0x4  }
0x40: {  	v57 =	vshrl.u32 v3, $0x3  }
0x41: {  	v4 =	vmul.u32 $0x30, v57  }
0x42: {  	v3 =	vand.u32 $0x7, v3  }
0x43: {  	v3 =	vor.u32 v3, v4  }
0x44: {  	v4 =	vperm.xlane v3, v0;
	_ =	sdelay $0x1  }
0x45: {  	v4 =	vadd.s32 v1, v4;
	_ =	sdelay $0x3  }
0x46: {  	s0 =	rddreg [dreg:$0x9];
	v3 =	vperm.xlane v3, v2  }
0x47: {  	[tilespmem:s0], [sflag:$0x1] =	stream.indirect_vreg.gather [hbm4b:s3+s2], $0x80, v4, vm0, $0xb8;
	[tilespmem:$0x18080] =	vst v63  }
0x48: {  	s9 =	rddreg [dreg:$0xa];
	v3 =	vadd.s32 v1, v3  }
0x49: {  	[tilespmem:s9], [sflag:$0x1] =	stream.indirect_vreg.gather [hbm4b:s4+s2], $0x80, v4, vm0, $0xb8;
	[tilespmem:$0x18080] =	vst v63  }
0x4a: {  	s0 =	rddreg [dreg:$0xb]  }
0x4b: {  	[tilespmem:s0], [sflag:$0x1] =	stream.indirect_vreg.gather [hbm4b:s5+s2], $0x80, v4, vm0, $0xb8;
	[tilespmem:$0x18080] =	vst v63  }
0x4c: {  	s9 =	rddreg [dreg:$0xc]  }
0x4d: {  	[tilespmem:s9], [sflag:$0x1] =	stream.indirect_vreg.gather [hbm4b:s3+s2], $0x80, v3, vm0, $0xb8;
	[tilespmem:$0x18080] =	vst v63  }
0x4e: {  	s0 =	rddreg [dreg:$0xd]  }
0x4f: {  	[tilespmem:s0], [sflag:$0x1] =	stream.indirect_vreg.gather [hbm4b:s4+s2], $0x80, v3, vm0, $0xb8;
	[tilespmem:$0x18080] =	vst v63  }
0x50: {  	s9 =	rddreg [dreg:$0xe]  }
0x51: {  	[tilespmem:s9], [sflag:$0x1] =	stream.indirect_vreg.gather [hbm4b:s5+s2], $0x80, v3, vm0, $0xb8;
	[tilespmem:$0x18080] =	vst v63  }
0x52: {  	v3 =	vld [tilespmem:$0x20];
	_ =	sdelay $0x4  }
0x53: {  	v58 =	vshrl.u32 v3, $0x3  }
0x54: {  	v4 =	vmul.u32 $0x30, v58  }
0x55: {  	v3 =	vand.u32 $0x7, v3  }
0x56: {  	v3 =	vor.u32 v3, v4  }
0x57: {  	v4 =	vperm.xlane v3, v0;
	_ =	sdelay $0x1  }
0x58: {  	v4 =	vadd.s32 v1, v4;
	_ =	sdelay $0x3  }
0x59: {  	s0 =	rddreg [dreg:$0xf];
	v3 =	vperm.xlane v3, v2  }
0x5a: {  	[tilespmem:s0], [sflag:$0x1] =	stream.indirect_vreg.gather [hbm4b:s3+s2], $0x80, v4, vm0, $0xb8;
	[tilespmem:$0x18080] =	vst v63  }
0x5b: {  	s9 =	rddreg [dreg:$0x10];
	v3 =	vadd.s32 v1, v3  }
0x5c: {  	[tilespmem:s9], [sflag:$0x1] =	stream.indirect_vreg.gather [hbm4b:s4+s2], $0x80, v4, vm0, $0xb8;
	[tilespmem:$0x18080] =	vst v63  }
0x5d: {  	s0 =	rddreg [dreg:$0x11]  }
0x5e: {  	[tilespmem:s0], [sflag:$0x1] =	stream.indirect_vreg.gather [hbm4b:s5+s2], $0x80, v4, vm0, $0xb8;
	[tilespmem:$0x18080] =	vst v63  }
0x5f: {  	s9 =	rddreg [dreg:$0x12]  }
0x60: {  	[tilespmem:s9], [sflag:$0x1] =	stream.indirect_vreg.gather [hbm4b:s3+s2], $0x80, v3, vm0, $0xb8;
	[tilespmem:$0x18080] =	vst v63  }
0x61: {  	s0 =	rddreg [dreg:$0x13]  }
0x62: {  	[tilespmem:s0], [sflag:$0x1] =	stream.indirect_vreg.gather [hbm4b:s4+s2], $0x80, v3, vm0, $0xb8;
	[tilespmem:$0x18080] =	vst v63  }
0x63: {  	s9 =	rddreg [dreg:$0x14]  }
0x64: {  	[tilespmem:s9], [sflag:$0x1] =	stream.indirect_vreg.gather [hbm4b:s5+s2], $0x80, v3, vm0, $0xb8;
	[tilespmem:$0x18080] =	vst v63  }
0x65: {  	v3 =	vld [tilespmem:$0x30];
	_ =	sdelay $0x4  }
0x66: {  	v59 =	vshrl.u32 v3, $0x3  }
0x67: {  	v4 =	vmul.u32 $0x30, v59  }
0x68: {  	v3 =	vand.u32 $0x7, v3  }
0x69: {  	v3 =	vor.u32 v3, v4  }
0x6a: {  	v4 =	vperm.xlane v3, v0;
	_ =	sdelay $0x1  }
0x6b: {  	v4 =	vadd.s32 v1, v4;
	_ =	sdelay $0x3  }
0x6c: {  	s0 =	rddreg [dreg:$0x15];
	v3 =	vperm.xlane v3, v2  }
0x6d: {  	[tilespmem:s0], [sflag:$0x1] =	stream.indirect_vreg.gather [hbm4b:s3+s2], $0x80, v4, vm0, $0xb8;
	[tilespmem:$0x18080] =	vst v63  }
0x6e: {  	s9 =	rddreg [dreg:$0x16];
	v3 =	vadd.s32 v1, v3  }
0x6f: {  	[tilespmem:s9], [sflag:$0x1] =	stream.indirect_vreg.gather [hbm4b:s4+s2], $0x80, v4, vm0, $0xb8;
	[tilespmem:$0x18080] =	vst v63  }
0x70: {  	s0 =	rddreg [dreg:$0x17]  }
0x71: {  	[tilespmem:s0], [sflag:$0x1] =	stream.indirect_vreg.gather [hbm4b:s5+s2], $0x80, v4, vm0, $0xb8;
	[tilespmem:$0x18080] =	vst v63  }
0x72: {  	s9 =	rddreg [dreg:$0x18]  }
0x73: {  	[tilespmem:s9], [sflag:$0x1] =	stream.indirect_vreg.gather [hbm4b:s3+s2], $0x80, v3, vm0, $0xb8;
	[tilespmem:$0x18080] =	vst v63  }
0x74: {  	s0 =	rddreg [dreg:$0x19]  }
0x75: {  	[tilespmem:s0], [sflag:$0x1] =	stream.indirect_vreg.gather [hbm4b:s4+s2], $0x80, v3, vm0, $0xb8;
	[tilespmem:$0x18080] =	vst v63  }
0x76: {  	s9 =	rddreg [dreg:$0x1a]  }
0x77: {  	[tilespmem:s9], [sflag:$0x1] =	stream.indirect_vreg.gather [hbm4b:s5+s2], $0x80, v3, vm0, $0xb8;
	[tilespmem:$0x18080] =	vst v63  }
0x78: {  	v3 =	vld [tilespmem:$0x40];
	_ =	sdelay $0x4  }
0x79: {  	v60 =	vshrl.u32 v3, $0x3  }
0x7a: {  	v4 =	vmul.u32 $0x30, v60  }
0x7b: {  	v3 =	vand.u32 $0x7, v3  }
0x7c: {  	v3 =	vor.u32 v3, v4  }
0x7d: {  	v4 =	vperm.xlane v3, v0;
	_ =	sdelay $0x1  }
0x7e: {  	v4 =	vadd.s32 v1, v4;
	_ =	sdelay $0x3  }
0x7f: {  	s0 =	rddreg [dreg:$0x1b];
	v3 =	vperm.xlane v3, v2  }
0x80: {  	[tilespmem:s0], [sflag:$0x1] =	stream.indirect_vreg.gather [hbm4b:s3+s2], $0x80, v4, vm0, $0xb8;
	[tilespmem:$0x18080] =	vst v63  }
0x81: {  	s9 =	rddreg [dreg:$0x1c];
	v3 =	vadd.s32 v1, v3  }
0x82: {  	[tilespmem:s9], [sflag:$0x1] =	stream.indirect_vreg.gather [hbm4b:s4+s2], $0x80, v4, vm0, $0xb8;
	[tilespmem:$0x18080] =	vst v63  }
0x83: {  	s9 =	simm.s32 $0xD080  }
0x84: {  	[tilespmem:s9], [sflag:$0x1] =	stream.indirect_vreg.gather [hbm4b:s5+s2], $0x80, v4, vm0, $0xb8;
	[tilespmem:$0x18080] =	vst v63  }
0x85: {  	_ = 	snop  }
0x86: {  	[tilespmem:s10], [sflag:$0x1] =	stream.indirect_vreg.gather [hbm4b:s3+s2], $0x80, v3, vm0, $0xb8;
	[tilespmem:$0x18080] =	vst v63  }
0x87: {  	_ = 	snop  }
0x88: {  	[tilespmem:s11], [sflag:$0x1] =	stream.indirect_vreg.gather [hbm4b:s4+s2], $0x80, v3, vm0, $0xb8;
	[tilespmem:$0x18080] =	vst v63  }
0x89: {  	_ = 	snop  }
0x8a: {  	[tilespmem:s12], [sflag:$0x1] =	stream.indirect_vreg.gather [hbm4b:s5+s2], $0x80, v3, vm0, $0xb8;
	[tilespmem:$0x18080] =	vst v63  }
0x8b: {  	v3 =	vld [tilespmem:$0x50];
	_ =	sdelay $0x4  }
0x8c: {  	v61 =	vshrl.u32 v3, $0x3  }
0x8d: {  	v4 =	vmul.u32 $0x30, v61  }
0x8e: {  	v3 =	vand.u32 $0x7, v3  }
0x8f: {  	v3 =	vor.u32 v3, v4  }
0x90: {  	v4 =	vperm.xlane v3, v0;
	_ =	sdelay $0x1  }
0x91: {  	v4 =	vadd.s32 v1, v4;
	_ =	sdelay $0x3  }
0x92: {  	v3 =	vperm.xlane v3, v2  }
0x93: {  	[tilespmem:s13], [sflag:$0x1] =	stream.indirect_vreg.gather [hbm4b:s3+s2], $0x80, v4, vm0, $0xb8;
	[tilespmem:$0x18080] =	vst v63  }
0x94: {  	v3 =	vadd.s32 v1, v3  }
0x95: {  	[tilespmem:s14], [sflag:$0x1] =	stream.indirect_vreg.gather [hbm4b:s4+s2], $0x80, v4, vm0, $0xb8;
	[tilespmem:$0x18080] =	vst v63  }
0x96: {  	_ = 	snop  }
0x97: {  	[tilespmem:s15], [sflag:$0x1] =	stream.indirect_vreg.gather [hbm4b:s5+s2], $0x80, v4, vm0, $0xb8;
	[tilespmem:$0x18080] =	vst v63  }
0x98: {  	_ = 	snop  }
0x99: {  	[tilespmem:s16], [sflag:$0x1] =	stream.indirect_vreg.gather [hbm4b:s3+s2], $0x80, v3, vm0, $0xb8;
	[tilespmem:$0x18080] =	vst v63  }
0x9a: {  	_ = 	snop  }
0x9b: {  	[tilespmem:s17], [sflag:$0x1] =	stream.indirect_vreg.gather [hbm4b:s4+s2], $0x80, v3, vm0, $0xb8;
	[tilespmem:$0x18080] =	vst v63  }
0x9c: {  	_ = 	snop  }
0x9d: {  	[tilespmem:s18], [sflag:$0x1] =	stream.indirect_vreg.gather [hbm4b:s5+s2], $0x80, v3, vm0, $0xb8;
	[tilespmem:$0x18080] =	vst v63  }
0x9e: {  	v3 =	vld [tilespmem:$0x60];
	_ =	sdelay $0x4  }
0x9f: {  	v62 =	vshrl.u32 v3, $0x3  }
0xa0: {  	v4 =	vmul.u32 $0x30, v62  }
0xa1: {  	v3 =	vand.u32 $0x7, v3  }
0xa2: {  	v3 =	vor.u32 v3, v4  }
0xa3: {  	v4 =	vperm.xlane v3, v0;
	_ =	sdelay $0x1  }
0xa4: {  	v4 =	vadd.s32 v1, v4;
	_ =	sdelay $0x3  }
0xa5: {  	v3 =	vperm.xlane v3, v2  }
0xa6: {  	[tilespmem:s19], [sflag:$0x1] =	stream.indirect_vreg.gather [hbm4b:s3+s2], $0x80, v4, vm0, $0xb8;
	[tilespmem:$0x18080] =	vst v63  }
0xa7: {  	v3 =	vadd.s32 v1, v3  }
0xa8: {  	[tilespmem:s20], [sflag:$0x1] =	stream.indirect_vreg.gather [hbm4b:s4+s2], $0x80, v4, vm0, $0xb8;
	[tilespmem:$0x18080] =	vst v63  }
0xa9: {  	_ = 	snop  }
0xaa: {  	[tilespmem:s21], [sflag:$0x1] =	stream.indirect_vreg.gather [hbm4b:s5+s2], $0x80, v4, vm0, $0xb8;
	[tilespmem:$0x18080] =	vst v63  }
0xab: {  	_ = 	snop  }
0xac: {  	[tilespmem:s22], [sflag:$0x1] =	stream.indirect_vreg.gather [hbm4b:s3+s2], $0x80, v3, vm0, $0xb8;
	[tilespmem:$0x18080] =	vst v63  }
0xad: {  	_ = 	snop  }
0xae: {  	[tilespmem:s23], [sflag:$0x1] =	stream.indirect_vreg.gather [hbm4b:s4+s2], $0x80, v3, vm0, $0xb8;
	[tilespmem:$0x18080] =	vst v63  }
0xaf: {  	_ = 	snop  }
0xb0: {  	[tilespmem:s24], [sflag:$0x1] =	stream.indirect_vreg.gather [hbm4b:s5+s2], $0x80, v3, vm0, $0xb8;
	[tilespmem:$0x18080] =	vst v63  }
0xb1: {  	v3 =	vld [tilespmem:$0x70];
	_ =	sdelay $0x4  }
0xb2: {  	v63 =	vshrl.u32 v3, $0x3  }
0xb3: {  	v4 =	vmul.u32 $0x30, v63  }
0xb4: {  	v3 =	vand.u32 $0x7, v3  }
0xb5: {  	v3 =	vor.u32 v3, v4  }
0xb6: {  	v4 =	vperm.xlane v3, v0;
	_ =	sdelay $0x1  }
0xb7: {  	v4 =	vadd.s32 v1, v4;
	_ =	sdelay $0x3  }
0xb8: {  	v3 =	vperm.xlane v3, v2  }
0xb9: {  	[tilespmem:s25], [sflag:$0x1] =	stream.indirect_vreg.gather [hbm4b:s3+s2], $0x80, v4, vm0, $0xb8;
	[tilespmem:$0x18080] =	vst v63  }
0xba: {  	v3 =	vadd.s32 v1, v3  }
0xbb: {  	[tilespmem:s26], [sflag:$0x1] =	stream.indirect_vreg.gather [hbm4b:s4+s2], $0x80, v4, vm0, $0xb8;
	[tilespmem:$0x18080] =	vst v63  }
0xbc: {  	_ = 	snop  }
0xbd: {  	[tilespmem:s28], [sflag:$0x1] =	stream.indirect_vreg.gather [hbm4b:s5+s2], $0x80, v4, vm0, $0xb8;
	[tilespmem:$0x18080] =	vst v63  }
0xbe: {  	_ = 	snop  }
0xbf: {  	[tilespmem:s29], [sflag:$0x1] =	stream.indirect_vreg.gather [hbm4b:s3+s2], $0x80, v3, vm0, $0xb8;
	[tilespmem:$0x18080] =	vst v63  }
0xc0: {  	_ = 	snop  }
0xc1: {  	[tilespmem:s30], [sflag:$0x1] =	stream.indirect_vreg.gather [hbm4b:s4+s2], $0x80, v3, vm0, $0xb8;
	[tilespmem:$0x18080] =	vst v63  }
0xc2: {  	_ = 	snop  }
0xc3: {  	[tilespmem:s31], [sflag:$0x1] =	stream.indirect_vreg.gather [hbm4b:s5+s2], $0x80, v3, vm0, $0xb8;
	[tilespmem:$0x18080] =	vst v63  }
0xc4: {  	_ =	swait.ge [sflag:s1], $0x18000  }
0xc5: {  	p0 =	sne.s32 s6, $0x1;
	[sflag:s1] =	ssyncset.done $0x0  }
.Ltmp0:
0xc6: {  	s9 =	rddreg [dreg:$0x3];
	[sflag:s1] =	ssyncadd.s32 $0xFFFE8000;
	(pc) =	sbr.rel @p0 .LBB2_1-.Ltmp0, $4  }
0xc7: {  	[hbm4b:s9+s2] =	stream.linear.scatter [tilespmem:s8], [sflag:$0x2], $0x18000, $0x38;
	[tilespmem:$0x18080] =	vst v63  }
0xc8: {  	_ =	swait.ge [sflag:s7], $0x18000  }
0xc9: {  	[sflag:s7] =	ssyncset.done $0x0  }
0xca: {  	s6 =	sadd.s32 $0xFFFFFFFF, s6;
	[sflag:s7] =	ssyncadd.s32 $0xFFFE8000  }
0xcb: {  	_ =	sfence.sel $0x180000  }
0xcc: {  	[bflag:$0x0] =	sbarrier.arrive $0xFFFF  }
0xcd: {  	_ =	strace $0x9000004A  }
0xce: {  	s0 =	stileid.u32;
	[bflag:$0x2] =	sbarrier.arrive $0xFFFF  }
0xcf: {  	p0 =	sne.s32 s0, $0x0;
	s0 =	rddreg [dreg:$0x1]  }
0xd0: {  	s0 =	sadd.s32 @!p0 $0x100000, s0  }
0xd1: {  	[sflag:s0] =	ssyncadd.tile.s32 @!p0 $0x1;
	_ =	shalt  }
.Lfunc_end2:
_tile_overlayer_lowered:
.L_overlay_start_2:
0xd2: {  	(tag) =	ssettag $0x2  }
0xd3: {  	s0 =	rddreg [dreg:$0x0];
	s2 =	stileid.u32  }
0xd4: {  	s1 =	rddreg [dreg:$0x1];
	p0 =	sne.s32 s2, $0x0  }
0xd5: {  	s3 =	rddreg [dreg:$0x2];
	[bflag:$0x3] =	sbarrier.arrive $0xFFFF;
	s2 =	simm.s32 @!p0 $0x1C02  }
0xd6: {  	[timem:s3], [sflag:s2] =	dma.local @!p0 [hbm:s0], s1  }
0xd7: {  	s0 =	simm.s32 @!p0 $0x2  }
0xd8: {  	_ =	swait.ge @!p0 [sflag:s0], s1  }
0xd9: {  	s1 =	ssub.s32 @!p0 $0x0, s1;
	[sflag:s0] =	ssyncset.done @!p0 $0x0  }
0xda: {  	[sflag:s0] =	ssyncadd.s32 @!p0 s1  }
0xdb: {  	[bflag:$0x3] =	sbarrier.arrive $0xFFFF  }
0xdc: {  	_ =	shalt  }

// kernel: kernel.9.cloned.1.call-start
scs
__scs_entry_jumppad:
0x0: {  	(pc) =	sbr.rel $0x88, $3  }
0x1: {  	(tag) =	ssettag $0x0;
	lr =	simm.s32 $0x1  }
0x2: {  	[smem:$0x3F8F] =	sst lr;
	_ =	strace $0xD0000000  }
0x3: {  	_ = 	snop  }
0x4: {  	_ = 	snop  }
0x5: {  	_ = 	snop  }
0x6: {  	_ = 	snop  }
0x7: {  	_ = 	snop  }
__scs_overlays_trampoline_lowered:
0x8: {  	[smem:$0x3F9E] =	sst s0  }
0x9: {  	[smem:$0x3F9F] =	sst s1  }
0xa: {  	[smem:$0x3FA0] =	sst s2  }
0xb: {  	[smem:$0x3FA1] =	sst s3  }
0xc: {  	[smem:$0x3FA2] =	sst s4  }
0xd: {  	[smem:$0x3FA3] =	sst s5  }
0xe: {  	[smem:$0x3FA4] =	sst s6  }
0xf: {  	[smem:$0x3FA5] =	sst s7  }
0x10: {  	[smem:$0x3FA6] =	sst s8  }
0x11: {  	[smem:$0x3FA7] =	sst s9;
	s0 =	simm.s32 @!p0 $0x0  }
0x12: {  	s1 =	sld [smem:$0x3F8D];
	s0 =	simm.s32 @p0 $0x1  }
0x13: {  	[smem:$0x3FA8] =	sst s0;
	s0 =	simm.s32 @!p1 $0x0  }
0x14: {  	s2 =	sld [smem:$0x3F8C];
	s0 =	simm.s32 @p1 $0x1  }
0x15: {  	[smem:$0x3FA9] =	sst s0;
	s0 =	simm.s32 @!p2 $0x0  }
0x16: {  	s3 =	sld [smem:$0x3FDB];
	s0 =	simm.s32 @p2 $0x1  }
0x17: {  	s4 =	simm.s32 $0x1BF5;
	[smem:$0x3FAB] =	sst s0  }
0x18: {  	s0 =	sld [smem:$0x3F8E];
	_ =	swait.ge [sflag:s4], $0x0  }
0x19: {  	s7 =	sld [smem:$0x3F8F]  }
0x1a: {  	s8 =	sadd.s32 $0xFFFFE003, lr  }
0x1b: {  	s9 =	sadd.s32 $0xFFFFFEF7, lr;
	s5 =	simm.s32 $0xFFFFFFFF;
	p2 =	slt.u32 s8, $0xFFFFF086  }
0x1c: {  	p1 =	slt.u32 s9, $0xF7A;
	s5 =	simm.s32 @!p2 $0x0  }
0x1d: {  	s5 =	simm.s32 @p1 $0x1;
	p0 =	seq.s32 s7, s2  }
0x1e: {  	s7 =	smul.u32 @!p0 $0xF7A, s2;
	p2 =	seq.s32 @!p0 s5, $0x0  }
0x1f: {  	s9 =	smul.u32 $0xF7A, s1;
	s8 =	simm.s32 @!p0 $0x1BF5;
	p2 =	por !p2, p0  }
0x20: {  	[sflag:s8] =	ssyncset.s32 @!p0 $0xFFFFF086;
	s6 =	sadd.s32 @!p0 s3, s7;
	s7 =	simm.s32 @!p0 $0x108  }
0x21: {  	s3 =	sadd.s32 s3, s9;
	s6 =	sadd.s32 @!p0 $0x88, s6;
	s7 =	simm.s32 @p2 $0x1082  }
0x22: {  	[simem:s7], [sflag:s8] =	dma.local @!p0 [hbm:s6], $0xF7A  }
0x23: {  	s9 =	sor.u32 $0xD0000000, s2;
	s6 =	simm.s32 $0x108;
	_ =	swait.ge @!p0 [sflag:s8], $0x0  }
0x24: {  	s3 =	sadd.s32 $0x88, s3;
	s6 =	simm.s32 @!p1 $0x1082;
	[sflag:s4] =	ssyncset.s32 $0xFFFFF086  }
0x25: {  	[simem:s6], [sflag:s4] =	dma.local [hbm:s3], $0xF7A  }
0x26: {  	[smem:$0x3F8F] =	sst s1;
	(tag) =	ssettag s2;
	_ =	strace s9  }
0x27: {  	s1 =	sld [smem:$0x3F9F]  }
0x28: {  	s2 =	sld [smem:$0x3FA0]  }
0x29: {  	s4 =	sld [smem:$0x3FA2]  }
0x2a: {  	p0 =	seq.s32 s5, $0x0;
	s5 =	sld [smem:$0x3FA3]  }
0x2b: {  	s6 =	sld [smem:$0x3FA4]  }
0x2c: {  	s7 =	sld [smem:$0x3FA5]  }
0x2d: {  	s3 =	simm.s32 $0x108;
	s8 =	sld [smem:$0x3FA6]  }
0x2e: {  	s3 =	simm.s32 @!p0 $0x1082;
	s9 =	sld [smem:$0x3FA7]  }
0x2f: {  	lr =	sadd.s32 s0, s3;
	s0 =	sld [smem:$0x3F9E]  }
0x30: {  	s3 =	sld [smem:$0x3FA1]  }
0x31: {  	[smem:$0x3FAA] =	sst s10  }
0x32: {  	s10 =	sld [smem:$0x3FA8];
	_ =	sdelay $0x3  }
0x33: {  	p0 =	seq.s32 s10, $0x1;
	s10 =	sld [smem:$0x3FAA];
	_ =	sdelay $0x3  }
0x34: {  	[smem:$0x3FAA] =	sst s10  }
0x35: {  	s10 =	sld [smem:$0x3FA9];
	_ =	sdelay $0x3  }
0x36: {  	p1 =	seq.s32 s10, $0x1;
	s10 =	sld [smem:$0x3FAA];
	_ =	sdelay $0x3  }
0x37: {  	[smem:$0x3FAA] =	sst s10  }
0x38: {  	s10 =	sld [smem:$0x3FAB]  }
0x39: {  	_ = 	snop;
	(pc) =	sbr.ind lr, $3  }
0x3a: {  	_ = 	snop  }
0x3b: {  	_ = 	snop  }
0x3c: {  	p2 =	seq.s32 s10, $0x1;
	s10 =	sld [smem:$0x3FAA]  }
0x3d: {  	_ =	shalt  }
0x3e: {  	_ =	shalt  }
0x3f: {  	_ =	shalt  }
0x40: {  	_ =	shalt  }
0x41: {  	_ =	shalt  }
0x42: {  	_ =	shalt  }
0x43: {  	_ =	shalt  }
0x44: {  	_ =	shalt  }
0x45: {  	_ =	shalt  }
0x46: {  	_ =	shalt  }
0x47: {  	_ =	shalt  }
0x48: {  	_ =	shalt  }
0x49: {  	_ =	shalt  }
0x4a: {  	_ =	shalt  }
0x4b: {  	_ =	shalt  }
0x4c: {  	_ =	shalt  }
0x4d: {  	_ =	shalt  }
0x4e: {  	_ =	shalt  }
0x4f: {  	_ =	shalt  }
0x50: {  	_ =	shalt  }
0x51: {  	_ =	shalt  }
0x52: {  	_ =	shalt  }
0x53: {  	_ =	shalt  }
0x54: {  	_ =	shalt  }
0x55: {  	_ =	shalt  }
0x56: {  	_ =	shalt  }
0x57: {  	_ =	shalt  }
0x58: {  	_ =	shalt  }
0x59: {  	_ =	shalt  }
0x5a: {  	_ =	shalt  }
0x5b: {  	_ =	shalt  }
0x5c: {  	_ =	shalt  }
0x5d: {  	_ =	shalt  }
0x5e: {  	_ =	shalt  }
0x5f: {  	_ =	shalt  }
0x60: {  	_ =	shalt  }
0x61: {  	_ =	shalt  }
0x62: {  	_ =	shalt  }
0x63: {  	_ =	shalt  }
0x64: {  	_ =	shalt  }
0x65: {  	_ =	shalt  }
0x66: {  	_ =	shalt  }
0x67: {  	_ =	shalt  }
0x68: {  	_ =	shalt  }
0x69: {  	_ =	shalt  }
0x6a: {  	_ =	shalt  }
0x6b: {  	_ =	shalt  }
0x6c: {  	_ =	shalt  }
0x6d: {  	_ =	shalt  }
0x6e: {  	_ =	shalt  }
0x6f: {  	_ =	shalt  }
0x70: {  	_ =	shalt  }
0x71: {  	_ =	shalt  }
0x72: {  	_ =	shalt  }
0x73: {  	_ =	shalt  }
0x74: {  	_ =	shalt  }
0x75: {  	_ =	shalt  }
0x76: {  	_ =	shalt  }
0x77: {  	_ =	shalt  }
0x78: {  	_ =	shalt  }
0x79: {  	_ =	shalt  }
0x7a: {  	_ =	shalt  }
0x7b: {  	_ =	shalt  }
0x7c: {  	_ =	shalt  }
0x7d: {  	_ =	shalt  }
0x7e: {  	_ =	shalt  }
0x7f: {  	_ =	shalt  }
0x80: {  	_ =	shalt  }
0x81: {  	_ =	shalt  }
0x82: {  	_ =	shalt  }
0x83: {  	_ =	shalt  }
0x84: {  	_ =	shalt  }
0x85: {  	_ =	shalt  }
0x86: {  	_ =	shalt  }
0x87: {  	_ =	shalt  }
.Lfunc_end0:
.L_simem_size_0:
called_computation_lowered:
.L_overlay_start_0:
0x88: {  	s2 =	sld [smem:$0x3FD9]  }
0x89: {  	s3 =	sld [smem:$0x3FFE];
	_ =	sdelay $0x1  }
0x8a: {  	s1 =	srdreg.scid  }
0x8b: {  	s0 =	sand.u32 $0x1, s1  }
0x8c: {  	s14 =	sshll.u32 s0, $0xA;
	s2 =	sadd.s32 s3, s2  }
0x8d: {  	s2 =	sadd.s32 s2, s14  }
0x8e: {  	[smem:$0x3FB6] =	sst s2  }
0x8f: {  	_ = 	snop  }
0x90: {  	s2 =	sld [smem:$0x3FD0];
	_ =	sdelay $0x2  }
0x91: {  	s15 =	simm.s32 $0xA;
	s4 =	simm.s32 $0x10  }
0x92: {  	[smem:s4], [sflag:s15] =	dma.local [hbm:s2], $0x1  }
0x93: {  	_ =	swait.eq [sflag:s15], $0x1  }
0x94: {  	[sflag:s15] =	ssyncset.done $0x0  }
0x95: {  	[sflag:s15] =	ssyncadd.s32 $0xFFFFFFFF  }
0x96: {  	s16 =	sld [smem:$0x10];
	(tm) =	ssettm $0x1  }
0x97: {  	s17 =	sld [smem:$0x3FFB];
	_ =	sdelay $0x3  }
0x98: {  	_ =	strace s17  }
0x99: {  	s3 =	sld [smem:$0x3FFC];
	_ =	sdelay $0x3  }
0x9a: {  	_ =	strace s3  }
0x9b: {  	s3 =	sld [smem:$0x3FFD];
	_ =	sdelay $0x3  }
0x9c: {  	_ =	strace s3  }
0x9d: {  	_ =	strace $0x8FFFFFFF  }
0x9e: {  	s18 =	sld [smem:$0x3FDB];
	_ =	sdelay $0x1  }
0x9f: {  	s19 =	simm.s32 $_scs_section_size  }
0xa0: {  	s5 =	simm.s32 $_size__tile_overlayer_lowered;
	s6 =	simm.s32 $_tile_overlayer_lowered  }
0xa1: {  	s22 =	simm.s32 $0x1BFF;
	s21 =	sshll.u32 s6, $0x1;
	s3 =	sadd.s32 s19, s18  }
0xa2: {  	s7 =	simm.s32 $0x0;
	s20 =	sshll.u32 s5, $0x1;
	s5 =	sadd.s32 s21, s3  }
0xa3: {  	[timem:s7], [sflag:s22] =	dma.local [hbm:s5], s20  }
0xa4: {  	_ =	swait.ge [sflag:s22], s20  }
0xa5: {  	s4 =	ssub.s32 $0x0, s20;
	[sflag:s22] =	ssyncset.done $0x0  }
0xa6: {  	[sflag:s22] =	ssyncadd.s32 s4;
	_ =	sdelay $0x1  }
0xa7: {  	s23 =	simm.s32 $0x1B8B  }
0xa8: {  	_ =	swait.ge [sflag:s23], $0x1  }
0xa9: {  	[sflag:s23] =	ssyncset.done $0x0  }
0xaa: {  	s25 =	simm.s32 $0x1B8E;
	s24 =	sld [smem:$0x3FFE];
	[sflag:s23] =	ssyncadd.s32 $0xFFFFFFFF  }
0xab: {  	s26 =	simm.s32 $execute0_lowered;
	[smem:$0x3FD2] =	sst s25  }
0xac: {  	s5 =	sshll.u32 s26, $0x1;
	_ =	strace $0x80000046;
	[dreg:$0x1] =	wrdreg $0xFFFFFFFF  }
0xad: {  	s28 =	simm.s32 $_size_execute0_lowered;
	s3 =	sadd.s32 s3, s5;
	[dreg:$0x0] =	wrdreg $0x0  }
0xae: {  	s5 =	sshll.u32 s28, $0x1;
	[dreg:$0x2] =	wrdreg s3  }
0xaf: {  	[dreg:$0x3] =	wrdreg s5  }
0xb0: {  	[dreg:$0x4] =	wrdreg $0xC0  }
0xb1: {  	_ =	task [dreg:s7], $0x5FFFF  }
0xb2: {  	[dreg:$0x1] =	wrdreg $0xFFFFFFFF  }
0xb3: {  	[dreg:$0x0] =	wrdreg $0x60  }
0xb4: {  	[dreg:$0x2] =	wrdreg s16  }
0xb5: {  	[dreg:$0x3] =	wrdreg s24  }
0xb6: {  	[dreg:$0x4] =	wrdreg $0x9  }
0xb7: {  	_ =	task.clear_ibuf [dreg:s7], $0x5FFFF;
	_ =	strace $0x90000046  }
0xb8: {  	s29 =	simm.s32 $0x9;
	_ =	strace $0x80000048  }
0xb9: {  	_ =	swait.ge [sflag:s29], $0x1  }
0xba: {  	[sflag:s29] =	ssyncadd.s32 $0xFFFFFFFF  }
0xbb: {  	_ =	strace $0x90000048  }
0xbc: {  	_ =	sfence  }
0xbd: {  	s30 =	sld [smem:$0x0];
	_ =	sdelay $0x2  }
0xbe: {  	s31 =	sshll.u32 s1, $0xD;
	s1 =	sshrl.u32 s1, $0x2  }
0xbf: {  	s3 =	sand.u32 $0x4000, s31;
	s1 =	sadd.s32 s1, s30  }
0xc0: {  	s0 =	sor.u32 s3, s0;
	s1 =	sshll.u32 s1, $0x11  }
0xc1: {  	s0 =	sor.u32 s1, s0  }
0xc2: {  	s0 =	sadd.s32 $0x8F2B, s0  }
0xc3: {  	[sflag:s0] =	ssyncadd.remote.s32 $0x1  }
0xc4: {  	_ =	sfence.sel $0xFFFF  }
0xc5: {  	[dreg:$0x0] =	wrdreg $0xFFFFFFFF;
	(pc) =	sbr.abs _section_cstart, $3  }
0xc6: {  	[dreg:$0x1] =	wrdreg $0xFFFFFFFF  }
0xc7: {  	_ =	task.clear_ibuf [dreg:s7], $0x2FFFF;
	_ =	strace $0x9FFFFFFF  }
0xc8: {  	(tm) =	ssettm $0x7FFFFFFF  }
0xc9: {  	_ =	shalt  }
tec
execute0_lowered:
.L_overlay_start_1:
0x0: {  	(tag) =	ssettag $0x1  }
0x1: {  	s0 =	rddreg [dreg:$0x0]  }
0x2: {  	s1 =	rddreg [dreg:$0x1];
	s2 =	srdreg.scid  }
0x3: {  	s3 =	stileid.u32;
	s26 =	simm.s32 $0x80;
	s9 =	simm.s32 $0x2  }
0x4: {  	s12 =	simm.s32 $0x1900;
	s13 =	simm.s32 $0x2100;
	s14 =	simm.s32 $0x2900  }
0x5: {  	s15 =	simm.s32 $0x3100;
	s16 =	simm.s32 $0x3900;
	s17 =	simm.s32 $0x4100  }
0x6: {  	s18 =	simm.s32 $0x4900;
	s19 =	simm.s32 $0x5100;
	s20 =	simm.s32 $0x5900  }
0x7: {  	s21 =	simm.s32 $0x6100;
	s22 =	simm.s32 $0x6900;
	s23 =	simm.s32 $0x7100  }
0x8: {  	s24 =	simm.s32 $0x7900;
	s28 =	simm.s32 $0x9100;
	s29 =	simm.s32 $0x9900  }
0x9: {  	s30 =	simm.s32 $0xA100;
	s31 =	simm.s32 $0xA900;
	s4 =	sand.u32 $0x1, s2  }
0xa: {  	s2 =	simm.s32 $0x0;
	s3 =	sshll.u32 s3, $0x4;
	s5 =	sshll.u32 s4, $0x3  }
0xb: {  	[smem:$0x7FF] =	sst s2;
	s4 =	ssub.s32 $0x2, s4;
	s5 =	sor.u32 s5, s3  }
0xc: {  	_ =	strace $0x80000047;
	s3 =	sadd.s32 $0x2400, s1;
	s8 =	sshrl.u32 s4, $0x1  }
0xd: {  	[dreg:$0x6] =	wrdreg s26;
	s26 =	simm.s32 $0x8900;
	s6 =	sadd.s32 s5, s1  }
0xe: {  	s5 =	smul.u32 $0x300, s5;
	s25 =	ssub.s32 s4, s8;
	s7 =	sadd.s32 $0x2000, s6  }
0xf: {  	s4 =	sadd.s32 $0x2500, s1;
	s6 =	sadd.s32 $0x2200, s6;
	[dreg:$0x3] =	wrdreg s7  }
0x10: {  	v2 =	vlaneseq.u32;
	s8 =	simm.s32 $0xB900;
	[dreg:$0x4] =	wrdreg s6;
	s0 =	sadd.s32 s0, s5  }
0x11: {  	vm0 =	vmmov $0xffff;
	v1 =	vshrl.u32 v2, $0x3;
	s5 =	sadd.s32 $0x2600, s1;
	s6 =	smax.u32 s25, $0x1;
	s7 =	simm.s32 $0x3  }
0x12: {  	v0 =	vand.u32 $0x7, v2;
	v2 =	vor.u32 $0x8, v2;
	v1 =	vmul.u32 $0x8, v1;
	s1 =	simm.s32 $0x100;
	s25 =	simm.s32 $0x8100;
	[dreg:$0x5] =	wrdreg s0  }
.LBB2_1:
0x13: {  	s10 =	rddreg [dreg:$0x3]  }
0x14: {  	[tilespmem:s2], [sflag:$0x3] =	stream.linear.gather [hbm4b:s10+s2], $0x40, $0x38;
	[tilespmem:$0xC100] =	vst v63  }
0x15: {  	_ =	swait.ge [sflag:s7], $0x40  }
0x16: {  	s0 =	rddreg [dreg:$0x4];
	[sflag:s7] =	ssyncset.done $0x0  }
0x17: {  	s11 =	rddreg [dreg:$0x6];
	[sflag:s7] =	ssyncadd.s32 $0xFFFFFFC0  }
0x18: {  	[tilespmem:s11], [sflag:$0x3] =	stream.linear.gather [hbm4b:s0+s2], $0x40, $0x38;
	[tilespmem:$0xC100] =	vst v63  }
0x19: {  	_ =	swait.ge [sflag:s7], $0x40  }
0x1a: {  	[sflag:s7] =	ssyncset.done $0x0  }
0x1b: {  	s0 =	rddreg [dreg:$0x5];
	[sflag:s7] =	ssyncadd.s32 $0xFFFFFFC0  }
0x1c: {  	[tilespmem:s1], [sflag:$0x3] =	stream.linear.gather [hbm4b:s0+s2], $0xC000, $0x38;
	[tilespmem:$0xC100] =	vst v63  }
0x1d: {  	_ =	swait.ge [sflag:s7], $0xC000  }
0x1e: {  	[sflag:s7] =	ssyncset.done $0x0  }
0x1f: {  	[sflag:s7] =	ssyncadd.s32 $0xFFFF4000  }
0x20: {  	v3 =	vld [tilespmem:$0x0];
	_ =	sdelay $0x4  }
0x21: {  	v4 =	vshrl.u32 v3, $0x3  }
0x22: {  	v4 =	vmul.u32 $0x30, v4  }
0x23: {  	v3 =	vand.u32 $0x7, v3  }
0x24: {  	v3 =	vor.u32 v3, v4  }
0x25: {  	v4 =	vperm.xlane v3, v0;
	_ =	sdelay $0x1  }
0x26: {  	v4 =	vadd.s32 v1, v4;
	_ =	sdelay $0x3  }
0x27: {  	v3 =	vperm.xlane v3, v2  }
0x28: {  	[hbm4b:s3+s2] =	stream.indirect_vreg.scatter [tilespmem:s1], [sflag:$0x1], $0x80, v4, vm0, $0xb8;
	[tilespmem:$0xC100] =	vst v63  }
0x29: {  	s10 =	simm.s32 $0x900;
	v3 =	vadd.s32 v1, v3  }
0x2a: {  	[hbm4b:s4+s2] =	stream.indirect_vreg.scatter [tilespmem:s10], [sflag:$0x1], $0x80, v4, vm0, $0xb8;
	[tilespmem:$0xC100] =	vst v63  }
0x2b: {  	s11 =	simm.s32 $0x1100  }
0x2c: {  	[hbm4b:s5+s2] =	stream.indirect_vreg.scatter [tilespmem:s11], [sflag:$0x1], $0x80, v4, vm0, $0xb8;
	[tilespmem:$0xC100] =	vst v63  }
0x2d: {  	_ = 	snop  }
0x2e: {  	[hbm4b:s3+s2] =	stream.indirect_vreg.scatter [tilespmem:s12], [sflag:$0x1], $0x80, v3, vm0, $0xb8;
	[tilespmem:$0xC100] =	vst v63  }
0x2f: {  	_ = 	snop  }
0x30: {  	[hbm4b:s4+s2] =	stream.indirect_vreg.scatter [tilespmem:s13], [sflag:$0x1], $0x80, v3, vm0, $0xb8;
	[tilespmem:$0xC100] =	vst v63  }
0x31: {  	_ = 	snop  }
0x32: {  	[hbm4b:s5+s2] =	stream.indirect_vreg.scatter [tilespmem:s14], [sflag:$0x1], $0x80, v3, vm0, $0xb8;
	[tilespmem:$0xC100] =	vst v63  }
0x33: {  	v3 =	vld [tilespmem:$0x10];
	_ =	sdelay $0x4  }
0x34: {  	v57 =	vshrl.u32 v3, $0x3  }
0x35: {  	v4 =	vmul.u32 $0x30, v57  }
0x36: {  	v3 =	vand.u32 $0x7, v3  }
0x37: {  	v3 =	vor.u32 v3, v4  }
0x38: {  	v4 =	vperm.xlane v3, v0;
	_ =	sdelay $0x1  }
0x39: {  	v4 =	vadd.s32 v1, v4;
	_ =	sdelay $0x3  }
0x3a: {  	v3 =	vperm.xlane v3, v2  }
0x3b: {  	[hbm4b:s3+s2] =	stream.indirect_vreg.scatter [tilespmem:s15], [sflag:$0x1], $0x80, v4, vm0, $0xb8;
	[tilespmem:$0xC100] =	vst v63  }
0x3c: {  	v3 =	vadd.s32 v1, v3  }
0x3d: {  	[hbm4b:s4+s2] =	stream.indirect_vreg.scatter [tilespmem:s16], [sflag:$0x1], $0x80, v4, vm0, $0xb8;
	[tilespmem:$0xC100] =	vst v63  }
0x3e: {  	_ = 	snop  }
0x3f: {  	[hbm4b:s5+s2] =	stream.indirect_vreg.scatter [tilespmem:s17], [sflag:$0x1], $0x80, v4, vm0, $0xb8;
	[tilespmem:$0xC100] =	vst v63  }
0x40: {  	_ = 	snop  }
0x41: {  	[hbm4b:s3+s2] =	stream.indirect_vreg.scatter [tilespmem:s18], [sflag:$0x1], $0x80, v3, vm0, $0xb8;
	[tilespmem:$0xC100] =	vst v63  }
0x42: {  	_ = 	snop  }
0x43: {  	[hbm4b:s4+s2] =	stream.indirect_vreg.scatter [tilespmem:s19], [sflag:$0x1], $0x80, v3, vm0, $0xb8;
	[tilespmem:$0xC100] =	vst v63  }
0x44: {  	_ = 	snop  }
0x45: {  	[hbm4b:s5+s2] =	stream.indirect_vreg.scatter [tilespmem:s20], [sflag:$0x1], $0x80, v3, vm0, $0xb8;
	[tilespmem:$0xC100] =	vst v63  }
0x46: {  	v3 =	vld [tilespmem:$0x20];
	_ =	sdelay $0x4  }
0x47: {  	v58 =	vshrl.u32 v3, $0x3  }
0x48: {  	v4 =	vmul.u32 $0x30, v58  }
0x49: {  	v3 =	vand.u32 $0x7, v3  }
0x4a: {  	v3 =	vor.u32 v3, v4  }
0x4b: {  	v4 =	vperm.xlane v3, v0;
	_ =	sdelay $0x1  }
0x4c: {  	v4 =	vadd.s32 v1, v4;
	_ =	sdelay $0x3  }
0x4d: {  	v3 =	vperm.xlane v3, v2  }
0x4e: {  	[hbm4b:s3+s2] =	stream.indirect_vreg.scatter [tilespmem:s21], [sflag:$0x1], $0x80, v4, vm0, $0xb8;
	[tilespmem:$0xC100] =	vst v63  }
0x4f: {  	v3 =	vadd.s32 v1, v3  }
0x50: {  	[hbm4b:s4+s2] =	stream.indirect_vreg.scatter [tilespmem:s22], [sflag:$0x1], $0x80, v4, vm0, $0xb8;
	[tilespmem:$0xC100] =	vst v63  }
0x51: {  	_ = 	snop  }
0x52: {  	[hbm4b:s5+s2] =	stream.indirect_vreg.scatter [tilespmem:s23], [sflag:$0x1], $0x80, v4, vm0, $0xb8;
	[tilespmem:$0xC100] =	vst v63  }
0x53: {  	_ = 	snop  }
0x54: {  	[hbm4b:s3+s2] =	stream.indirect_vreg.scatter [tilespmem:s24], [sflag:$0x1], $0x80, v3, vm0, $0xb8;
	[tilespmem:$0xC100] =	vst v63  }
0x55: {  	_ = 	snop  }
0x56: {  	[hbm4b:s4+s2] =	stream.indirect_vreg.scatter [tilespmem:s25], [sflag:$0x1], $0x80, v3, vm0, $0xb8;
	[tilespmem:$0xC100] =	vst v63  }
0x57: {  	_ = 	snop  }
0x58: {  	[hbm4b:s5+s2] =	stream.indirect_vreg.scatter [tilespmem:s26], [sflag:$0x1], $0x80, v3, vm0, $0xb8;
	[tilespmem:$0xC100] =	vst v63  }
0x59: {  	v3 =	vld [tilespmem:$0x30];
	_ =	sdelay $0x4  }
0x5a: {  	v59 =	vshrl.u32 v3, $0x3  }
0x5b: {  	v4 =	vmul.u32 $0x30, v59  }
0x5c: {  	v3 =	vand.u32 $0x7, v3  }
0x5d: {  	v3 =	vor.u32 v3, v4  }
0x5e: {  	v4 =	vperm.xlane v3, v0;
	_ =	sdelay $0x1  }
0x5f: {  	v4 =	vadd.s32 v1, v4;
	_ =	sdelay $0x3  }
0x60: {  	v3 =	vperm.xlane v3, v2  }
0x61: {  	[hbm4b:s3+s2] =	stream.indirect_vreg.scatter [tilespmem:s28], [sflag:$0x1], $0x80, v4, vm0, $0xb8;
	[tilespmem:$0xC100] =	vst v63  }
0x62: {  	v3 =	vadd.s32 v1, v3  }
0x63: {  	[hbm4b:s4+s2] =	stream.indirect_vreg.scatter [tilespmem:s29], [sflag:$0x1], $0x80, v4, vm0, $0xb8;
	[tilespmem:$0xC100] =	vst v63  }
0x64: {  	_ = 	snop  }
0x65: {  	[hbm4b:s5+s2] =	stream.indirect_vreg.scatter [tilespmem:s30], [sflag:$0x1], $0x80, v4, vm0, $0xb8;
	[tilespmem:$0xC100] =	vst v63  }
0x66: {  	_ = 	snop  }
0x67: {  	[hbm4b:s3+s2] =	stream.indirect_vreg.scatter [tilespmem:s31], [sflag:$0x1], $0x80, v3, vm0, $0xb8;
	[tilespmem:$0xC100] =	vst v63  }
0x68: {  	s0 =	simm.s32 $0xB100  }
0x69: {  	[hbm4b:s4+s2] =	stream.indirect_vreg.scatter [tilespmem:s0], [sflag:$0x1], $0x80, v3, vm0, $0xb8;
	[tilespmem:$0xC100] =	vst v63  }
0x6a: {  	_ = 	snop  }
0x6b: {  	[hbm4b:s5+s2] =	stream.indirect_vreg.scatter [tilespmem:s8], [sflag:$0x1], $0x80, v3, vm0, $0xb8;
	[tilespmem:$0xC100] =	vst v63  }
0x6c: {  	v3 =	vld [tilespmem:$0x80];
	_ =	sdelay $0x4  }
0x6d: {  	v60 =	vshrl.u32 v3, $0x3  }
0x6e: {  	v4 =	vmul.u32 $0x30, v60  }
0x6f: {  	v3 =	vand.u32 $0x7, v3  }
0x70: {  	v3 =	vor.u32 v3, v4  }
0x71: {  	v4 =	vperm.xlane v3, v0;
	_ =	sdelay $0x1  }
0x72: {  	v4 =	vadd.s32 v1, v4;
	_ =	sdelay $0x3  }
0x73: {  	v3 =	vperm.xlane v3, v2  }
0x74: {  	[hbm4b:s3+s2] =	stream.indirect_vreg.scatter [tilespmem:s1], [sflag:$0x2], $0x80, v4, vm0, $0xb8;
	[tilespmem:$0xC100] =	vst v63  }
0x75: {  	v3 =	vadd.s32 v1, v3  }
0x76: {  	[hbm4b:s4+s2] =	stream.indirect_vreg.scatter [tilespmem:s10], [sflag:$0x2], $0x80, v4, vm0, $0xb8;
	[tilespmem:$0xC100] =	vst v63  }
0x77: {  	_ = 	snop  }
0x78: {  	[hbm4b:s5+s2] =	stream.indirect_vreg.scatter [tilespmem:s11], [sflag:$0x2], $0x80, v4, vm0, $0xb8;
	[tilespmem:$0xC100] =	vst v63  }
0x79: {  	_ = 	snop  }
0x7a: {  	[hbm4b:s3+s2] =	stream.indirect_vreg.scatter [tilespmem:s12], [sflag:$0x2], $0x80, v3, vm0, $0xb8;
	[tilespmem:$0xC100] =	vst v63  }
0x7b: {  	_ = 	snop  }
0x7c: {  	[hbm4b:s4+s2] =	stream.indirect_vreg.scatter [tilespmem:s13], [sflag:$0x2], $0x80, v3, vm0, $0xb8;
	[tilespmem:$0xC100] =	vst v63  }
0x7d: {  	_ = 	snop  }
0x7e: {  	[hbm4b:s5+s2] =	stream.indirect_vreg.scatter [tilespmem:s14], [sflag:$0x2], $0x80, v3, vm0, $0xb8;
	[tilespmem:$0xC100] =	vst v63  }
0x7f: {  	v3 =	vld [tilespmem:$0x90];
	_ =	sdelay $0x4  }
0x80: {  	v61 =	vshrl.u32 v3, $0x3  }
0x81: {  	v4 =	vmul.u32 $0x30, v61  }
0x82: {  	v3 =	vand.u32 $0x7, v3  }
0x83: {  	v3 =	vor.u32 v3, v4  }
0x84: {  	v4 =	vperm.xlane v3, v0;
	_ =	sdelay $0x1  }
0x85: {  	v4 =	vadd.s32 v1, v4;
	_ =	sdelay $0x3  }
0x86: {  	v3 =	vperm.xlane v3, v2  }
0x87: {  	[hbm4b:s3+s2] =	stream.indirect_vreg.scatter [tilespmem:s15], [sflag:$0x2], $0x80, v4, vm0, $0xb8;
	[tilespmem:$0xC100] =	vst v63  }
0x88: {  	v3 =	vadd.s32 v1, v3  }
0x89: {  	[hbm4b:s4+s2] =	stream.indirect_vreg.scatter [tilespmem:s16], [sflag:$0x2], $0x80, v4, vm0, $0xb8;
	[tilespmem:$0xC100] =	vst v63  }
0x8a: {  	_ = 	snop  }
0x8b: {  	[hbm4b:s5+s2] =	stream.indirect_vreg.scatter [tilespmem:s17], [sflag:$0x2], $0x80, v4, vm0, $0xb8;
	[tilespmem:$0xC100] =	vst v63  }
0x8c: {  	_ = 	snop  }
0x8d: {  	[hbm4b:s3+s2] =	stream.indirect_vreg.scatter [tilespmem:s18], [sflag:$0x2], $0x80, v3, vm0, $0xb8;
	[tilespmem:$0xC100] =	vst v63  }
0x8e: {  	_ = 	snop  }
0x8f: {  	[hbm4b:s4+s2] =	stream.indirect_vreg.scatter [tilespmem:s19], [sflag:$0x2], $0x80, v3, vm0, $0xb8;
	[tilespmem:$0xC100] =	vst v63  }
0x90: {  	_ = 	snop  }
0x91: {  	[hbm4b:s5+s2] =	stream.indirect_vreg.scatter [tilespmem:s20], [sflag:$0x2], $0x80, v3, vm0, $0xb8;
	[tilespmem:$0xC100] =	vst v63  }
0x92: {  	v3 =	vld [tilespmem:$0xA0];
	_ =	sdelay $0x4  }
0x93: {  	v62 =	vshrl.u32 v3, $0x3  }
0x94: {  	v4 =	vmul.u32 $0x30, v62  }
0x95: {  	v3 =	vand.u32 $0x7, v3  }
0x96: {  	v3 =	vor.u32 v3, v4  }
0x97: {  	v4 =	vperm.xlane v3, v0;
	_ =	sdelay $0x1  }
0x98: {  	v4 =	vadd.s32 v1, v4;
	_ =	sdelay $0x3  }
0x99: {  	v3 =	vperm.xlane v3, v2  }
0x9a: {  	[hbm4b:s3+s2] =	stream.indirect_vreg.scatter [tilespmem:s21], [sflag:$0x2], $0x80, v4, vm0, $0xb8;
	[tilespmem:$0xC100] =	vst v63  }
0x9b: {  	v3 =	vadd.s32 v1, v3  }
0x9c: {  	[hbm4b:s4+s2] =	stream.indirect_vreg.scatter [tilespmem:s22], [sflag:$0x2], $0x80, v4, vm0, $0xb8;
	[tilespmem:$0xC100] =	vst v63  }
0x9d: {  	_ = 	snop  }
0x9e: {  	[hbm4b:s5+s2] =	stream.indirect_vreg.scatter [tilespmem:s23], [sflag:$0x2], $0x80, v4, vm0, $0xb8;
	[tilespmem:$0xC100] =	vst v63  }
0x9f: {  	_ = 	snop  }
0xa0: {  	[hbm4b:s3+s2] =	stream.indirect_vreg.scatter [tilespmem:s24], [sflag:$0x2], $0x80, v3, vm0, $0xb8;
	[tilespmem:$0xC100] =	vst v63  }
0xa1: {  	_ = 	snop  }
0xa2: {  	[hbm4b:s4+s2] =	stream.indirect_vreg.scatter [tilespmem:s25], [sflag:$0x2], $0x80, v3, vm0, $0xb8;
	[tilespmem:$0xC100] =	vst v63  }
0xa3: {  	_ = 	snop  }
0xa4: {  	[hbm4b:s5+s2] =	stream.indirect_vreg.scatter [tilespmem:s26], [sflag:$0x2], $0x80, v3, vm0, $0xb8;
	[tilespmem:$0xC100] =	vst v63  }
0xa5: {  	v3 =	vld [tilespmem:$0xB0];
	_ =	sdelay $0x4  }
0xa6: {  	v63 =	vshrl.u32 v3, $0x3  }
0xa7: {  	v4 =	vmul.u32 $0x30, v63  }
0xa8: {  	v3 =	vand.u32 $0x7, v3  }
0xa9: {  	v3 =	vor.u32 v3, v4  }
0xaa: {  	v4 =	vperm.xlane v3, v0;
	_ =	sdelay $0x1  }
0xab: {  	v4 =	vadd.s32 v1, v4;
	_ =	sdelay $0x3  }
0xac: {  	v3 =	vperm.xlane v3, v2  }
0xad: {  	[hbm4b:s3+s2] =	stream.indirect_vreg.scatter [tilespmem:s28], [sflag:$0x2], $0x80, v4, vm0, $0xb8;
	[tilespmem:$0xC100] =	vst v63  }
0xae: {  	v3 =	vadd.s32 v1, v3  }
0xaf: {  	[hbm4b:s4+s2] =	stream.indirect_vreg.scatter [tilespmem:s29], [sflag:$0x2], $0x80, v4, vm0, $0xb8;
	[tilespmem:$0xC100] =	vst v63  }
0xb0: {  	_ = 	snop  }
0xb1: {  	[hbm4b:s5+s2] =	stream.indirect_vreg.scatter [tilespmem:s30], [sflag:$0x2], $0x80, v4, vm0, $0xb8;
	[tilespmem:$0xC100] =	vst v63  }
0xb2: {  	_ = 	snop  }
0xb3: {  	[hbm4b:s3+s2] =	stream.indirect_vreg.scatter [tilespmem:s31], [sflag:$0x2], $0x80, v3, vm0, $0xb8;
	[tilespmem:$0xC100] =	vst v63  }
0xb4: {  	_ = 	snop  }
0xb5: {  	[hbm4b:s4+s2] =	stream.indirect_vreg.scatter [tilespmem:s0], [sflag:$0x2], $0x80, v3, vm0, $0xb8;
	[tilespmem:$0xC100] =	vst v63  }
0xb6: {  	s11 =	simm.s32 $0x1  }
0xb7: {  	[hbm4b:s5+s2] =	stream.indirect_vreg.scatter [tilespmem:s8], [sflag:$0x2], $0x80, v3, vm0, $0xb8;
	[tilespmem:$0xC100] =	vst v63  }
0xb8: {  	p0 =	sne.s32 s6, $0x1;
	_ =	swait.ge [sflag:s11], $0xC000  }
.Ltmp0:
0xb9: {  	[sflag:s11] =	ssyncset.done $0x0;
	(pc) =	sbr.rel @p0 .LBB2_1-.Ltmp0, $4  }
0xba: {  	[sflag:s11] =	ssyncadd.s32 $0xFFFF4000  }
0xbb: {  	_ =	swait.ge [sflag:s9], $0xC000  }
0xbc: {  	[sflag:s9] =	ssyncset.done $0x0  }
0xbd: {  	s6 =	sadd.s32 $0xFFFFFFFF, s6;
	[sflag:s9] =	ssyncadd.s32 $0xFFFF4000  }
0xbe: {  	_ =	sfence.sel $0x180000  }
0xbf: {  	[bflag:$0x0] =	sbarrier.arrive $0xFFFF  }
0xc0: {  	_ =	strace $0x90000047  }
0xc1: {  	s0 =	stileid.u32;
	[bflag:$0x2] =	sbarrier.arrive $0xFFFF  }
0xc2: {  	p0 =	sne.s32 s0, $0x0;
	s0 =	rddreg [dreg:$0x2]  }
0xc3: {  	s0 =	sadd.s32 @!p0 $0x100000, s0  }
0xc4: {  	[sflag:s0] =	ssyncadd.tile.s32 @!p0 $0x1;
	_ =	shalt  }
.Lfunc_end2:
_tile_overlayer_lowered:
.L_overlay_start_2:
0xc5: {  	(tag) =	ssettag $0x2  }
0xc6: {  	s0 =	rddreg [dreg:$0x0];
	s2 =	stileid.u32  }
0xc7: {  	s1 =	rddreg [dreg:$0x1];
	p0 =	sne.s32 s2, $0x0  }
0xc8: {  	s3 =	rddreg [dreg:$0x2];
	[bflag:$0x3] =	sbarrier.arrive $0xFFFF;
	s2 =	simm.s32 @!p0 $0x1C03  }
0xc9: {  	[timem:s3], [sflag:s2] =	dma.local @!p0 [hbm:s0], s1  }
0xca: {  	s0 =	simm.s32 @!p0 $0x3  }
0xcb: {  	_ =	swait.ge @!p0 [sflag:s0], s1  }
0xcc: {  	s1 =	ssub.s32 @!p0 $0x0, s1;
	[sflag:s0] =	ssyncset.done @!p0 $0x0  }
0xcd: {  	[sflag:s0] =	ssyncadd.s32 @!p0 s1  }
0xce: {  	[bflag:$0x3] =	sbarrier.arrive $0xFFFF  }
0xcf: {  	_ =	shalt  }

</sc_bundles>
